<compile_context>
chip_gen: v7x
topology: tpu7x:2x2x1
jax: 0.10.2.dev20260603
libtpu: 0.0.44.dev20260713+nightly
codegen_flags: <defaults>
</compile_context>

<pallas_src>
import functools

import jax
import jax.numpy as jnp
from jax import lax
from jax.experimental import pallas as pl
from jax.experimental.pallas import tpu as pltpu
from jax.experimental.pallas import tpu_sc as plsc

NODES = 10000
EDGES = 320000
IN_C = 128
OUT_C = 128
NC = 2
NS = 16
NTILES = NC * NS
EPT = EDGES // NTILES
LANES = 16
VECS_E = EPT // LANES
VECS_N = NODES // LANES
WIN = 10112

_mesh = plsc.VectorSubcoreMesh(core_axis_name="c", subcore_axis_name="s")
_sc_params = pltpu.CompilerParams(needs_layout_passes=False)


def _wid():
    return lax.axis_index("s") * NC + lax.axis_index("c")


def _zero(ref):
    zeros = jnp.zeros((LANES,), jnp.float32)

    @plsc.parallel_loop(0, NODES, step=LANES, unroll=8)
    def _(s):
        ref[pl.ds(s, LANES)] = zeros


@functools.partial(
    pl.kernel,
    out_type=jax.ShapeDtypeStruct((NTILES, NODES), jnp.float32),
    mesh=_mesh,
    compiler_params=_sc_params,
    scratch_types=[
        pltpu.VMEM((2, WIN), jnp.int32),
        pltpu.VMEM((EPT,), jnp.float32),
        pltpu.VMEM((NODES,), jnp.float32),
    ],
)
def _sc_deg(ei_hbm, ew_hbm, out_hbm, rc_v, ew_v, acc_v):
    base = _wid() * EPT
    win = (base // 128) * 128
    off = base - win
    pltpu.sync_copy(ei_hbm.at[:, pl.ds(win, WIN)], rc_v)
    pltpu.sync_copy(ew_hbm.at[pl.ds(base, EPT)], ew_v)
    _zero(acc_v)

    @plsc.parallel_loop(0, EPT, step=LANES, unroll=8)
    def _(s):
        idx = rc_v[1, pl.ds(off + s, LANES)]
        w = ew_v[pl.ds(s, LANES)]
        plsc.addupdate_scatter(acc_v, [idx], w)
    pltpu.sync_copy(acc_v, out_hbm.at[_wid()])


def _tc_norm_body(degp_ref, dis_ref, inv_ref):
    deg = jnp.sum(degp_ref[...], axis=0, keepdims=True) + 1.0
    pos = deg > 0
    dis_ref[...] = jnp.reshape(jnp.where(pos, lax.rsqrt(deg), 0.0), (NODES,))
    inv_ref[...] = jnp.reshape(jnp.where(pos, 1.0 / deg, 0.0), (NODES,))


_tc_norm = pl.pallas_call(
    _tc_norm_body,
    out_shape=[
        jax.ShapeDtypeStruct((NODES,), jnp.float32),
        jax.ShapeDtypeStruct((NODES,), jnp.float32),
    ],
)


@functools.partial(
    pl.kernel,
    out_type=[
        jax.ShapeDtypeStruct((NTILES, NODES), jnp.float32),
        jax.ShapeDtypeStruct((NTILES, NODES), jnp.float32),
    ],
    mesh=_mesh,
    compiler_params=_sc_params,
    scratch_types=[
        pltpu.VMEM((2, WIN), jnp.int32),
        pltpu.VMEM((EPT,), jnp.float32),
        pltpu.VMEM((NODES,), jnp.float32),
        pltpu.VMEM((NODES,), jnp.float32),
        pltpu.VMEM((NODES,), jnp.float32),
    ],
)
def _sc_edges(ei_hbm, ew_hbm, dis_hbm, out_a, out_c,
              rc_v, ew_v, dis_v, acc_a, acc_c):
    base = _wid() * EPT
    win = (base // 128) * 128
    off = base - win
    pltpu.sync_copy(dis_hbm, dis_v)
    pltpu.sync_copy(ei_hbm.at[:, pl.ds(win, WIN)], rc_v)
    pltpu.sync_copy(ew_hbm.at[pl.ds(base, EPT)], ew_v)
    _zero(acc_a)
    _zero(acc_c)

    @plsc.parallel_loop(0, EPT, step=LANES, unroll=8)
    def _(s):
        r = rc_v[0, pl.ds(off + s, LANES)]
        c = rc_v[1, pl.ds(off + s, LANES)]
        w = ew_v[pl.ds(s, LANES)]
        dr = plsc.load_gather(dis_v, [r])
        dc = plsc.load_gather(dis_v, [c])
        nrm = dr * w * dc
        plsc.addupdate_scatter(acc_a, [c], nrm)
        plsc.addupdate_scatter(acc_c, [r], nrm)
    pltpu.sync_copy(acc_a, out_a.at[_wid()])
    pltpu.sync_copy(acc_c, out_c.at[_wid()])


def _tc_tail_body(ap_ref, cp_ref, inv_ref, w1_ref, b1_ref, w2_ref, b2_ref,
                  out_ref):
    inv = jnp.reshape(inv_ref[...], (1, NODES))
    a = jnp.sum(ap_ref[...], axis=0, keepdims=True) + inv
    c = jnp.sum(cp_ref[...], axis=0, keepdims=True) + inv
    ones = jnp.ones((IN_C, 1), jnp.float32)
    s1 = lax.dot_general(w1_ref[...], ones, (((0,), (0,)), ((), ())))
    h1 = jnp.maximum(s1 * a + b1_ref[...], 0.0)
    v = jnp.sum(h1 * c, axis=1, keepdims=True)
    out = lax.dot_general(v, w2_ref[...], (((0,), (0,)), ((), ())))
    out_ref[...] = out * (1.0 / NODES) + b2_ref[...]


_tc_tail = pl.pallas_call(
    _tc_tail_body,
    out_shape=jax.ShapeDtypeStruct((1, OUT_C), jnp.float32),
)


def kernel(x, edge_index, edge_attr, W1, b1, W2, b2):
    del x
    deg_part = _sc_deg(edge_index, edge_attr)
    dis, inv = _tc_norm(deg_part)
    a_part, c_part = _sc_edges(edge_index, edge_attr, dis)
    return _tc_tail(a_part, c_part, inv, W1, jnp.reshape(b1, (IN_C, 1)),
                    W2, jnp.reshape(b2, (1, OUT_C)))

# --- scband reference (transcript-rebuilt; emitter-appended) ---
"""Pipeline reference for scband-static-gcn-15659450761585 (READ-ONLY COPY).

The authoritative reference and input builder live on the scoring server;
editing this copy changes nothing except your own understanding.
"""

import jax, jax.numpy as jnp
import numpy as np

NUM_NODES = 10000
IN_C = 128
HID_C = 128
OUT_C = 128
N_EDGES = 320000


def setup_inputs(seed: int = 0) -> dict:
    key = jax.random.key(seed)
    ks = jax.random.split(key, 8)
    x = jax.random.normal(ks[0], (NUM_NODES, IN_C), dtype=jnp.float32)
    edge_index = jax.random.randint(ks[1], (2, N_EDGES), 0, NUM_NODES, dtype=jnp.int32)
    edge_attr = jax.random.uniform(ks[2], (N_EDGES,), dtype=jnp.float32)
    W1 = jax.random.normal(ks[3], (IN_C, HID_C), dtype=jnp.float32) * (1.0 / np.sqrt(IN_C))
    b1 = jnp.zeros((HID_C,), dtype=jnp.float32)
    W2 = jax.random.normal(ks[4], (HID_C, OUT_C), dtype=jnp.float32) * (1.0 / np.sqrt(HID_C))
    b2 = jnp.zeros((OUT_C,), dtype=jnp.float32)
    return {"x": x, "edge_index": edge_index, "edge_attr": edge_attr, "W1": W1, "b1": b1, "W2": W2, "b2": b2}


def gcn_conv(h, edge_index, edge_weight, W, b):
    # PyG GCNConv: add self-loops (weight 1), symmetric degree normalization,
    # linear transform, gather at source, scatter-add at target, add bias.
    row = edge_index[0]
    col = edge_index[1]
    loop = jnp.arange(NUM_NODES, dtype=row.dtype)
    row = jnp.concatenate([row, loop])
    col = jnp.concatenate([col, loop])
    ew = jnp.concatenate([edge_weight, jnp.ones((NUM_NODES,), dtype=edge_weight.dtype)])
    deg = jnp.zeros((NUM_NODES,), dtype=ew.dtype).at[col].add(ew)
    deg_inv_sqrt = jnp.where(deg > 0, deg ** -0.5, 0.0)
    norm = deg_inv_sqrt[row] * ew * deg_inv_sqrt[col]
    h = h @ W
    msg = norm[:, None] * jnp.take(h, row, axis=0)
    out = jnp.zeros((NUM_NODES, W.shape[1]), dtype=h.dtype).at[col].add(msg)
    return out + b


def reference(x, edge_index, edge_attr, W1, b1, W2, b2):
    # Faithful to the torch module: input x is overwritten with ones.
    h = jnp.ones((NUM_NODES, IN_C), dtype=jnp.float32)
    h = gcn_conv(h, edge_index, edge_attr, W1, b1)
    h = jax.nn.relu(h)
    h = gcn_conv(h, edge_index, edge_attr, W2, b2)
    # global_mean_pool with batch=None -> mean over all nodes, shape [1, OUT_C]
    out = jnp.mean(h, axis=0, keepdims=True)
    return out

if __name__ == "__main__":
    import jax
    _d = setup_inputs()
    print(jax.jit(kernel)(*tuple(_d.values())))

</pallas_src>

<mosaic_0001>
#map = affine_map<(d0, d1) -> (0, 0)>
#map1 = affine_map<(d0, d1) -> (0)>
module attributes {stable_mosaic.version = 14 : i64} {
  func.func @_sc_deg(%arg0: i32, %arg1: i32, %arg2: memref<2x320000xi32, #tpu.memory_space<hbm>>, %arg3: memref<320000xf32, #tpu.memory_space<hbm>>, %arg4: memref<32x10000xf32, #tpu.memory_space<hbm>>, %arg5: memref<2x10112xi32, #tpu.memory_space<vmem>>, %arg6: memref<10000xf32, #tpu.memory_space<vmem>>, %arg7: memref<10000xf32, #tpu.memory_space<vmem>>) attributes {dimension_semantics = [#tpu.dimension_semantics<core_parallel>, #tpu.dimension_semantics<subcore_parallel>], iteration_bounds = array<i64: 2, 16>, scalar_prefetch = 0 : i64, scratch_operands = 3 : i64, tpu.core_type = #tpu.core_type<sc_vector_subcore>, window_params = [{transform_indices = #map}, {transform_indices = #map1}, {transform_indices = #map}]} {
    %mul3A = arith.constant 2 : i32
    %mul3A_0 = arith.muli %arg1, %mul3A : i32
    %add3A = arith.addi %mul3A_0, %arg0 : i32
    %mul3A_1 = arith.constant 10000 : i32
    %mul3A_2 = arith.muli %add3A, %mul3A_1 : i32
    %jit3A = arith.constant 128 : i32
    %div3A = arith.divsi %mul3A_2, %jit3A : i32
    %sign3A = arith.constant 0 : i32
    %sign3A_3 = arith.cmpi sgt, %mul3A_2, %sign3A : i32
    %sign3A_4 = arith.extui %sign3A_3 : i1 to i32
    %sign3A_5 = arith.constant 0 : i32
    %sign3A_6 = arith.cmpi slt, %mul3A_2, %sign3A_5 : i32
    %sign3A_7 = arith.extui %sign3A_6 : i1 to i32
    %sign3A_8 = arith.subi %sign3A_4, %sign3A_7 : i32
    %sign3A_9 = arith.constant 0 : i32
    %sign3A_10 = arith.cmpi sgt, %jit3A, %sign3A_9 : i32
    %sign3A_11 = arith.extui %sign3A_10 : i1 to i32
    %sign3A_12 = arith.constant 0 : i32
    %sign3A_13 = arith.cmpi slt, %jit3A, %sign3A_12 : i32
    %sign3A_14 = arith.extui %sign3A_13 : i1 to i32
    %sign3A_15 = arith.subi %sign3A_11, %sign3A_14 : i32
    %ne3A = arith.cmpi ne, %sign3A_8, %sign3A_15 : i32
    %rem3A = arith.remsi %mul3A_2, %jit3A : i32
    %ne3A_16 = arith.constant 0 : i32
    %ne3A_17 = arith.cmpi ne, %rem3A, %ne3A_16 : i32
    %and3A = arith.andi %ne3A, %ne3A_17 : i1
    %sub3A = arith.constant 1 : i32
    %sub3A_18 = arith.subi %div3A, %sub3A : i32
    %select_n3A = arith.select %and3A, %sub3A_18, %div3A : i32
    %mul3A_19 = arith.constant 128 : i32
    %mul3A_20 = arith.muli %select_n3A, %mul3A_19 : i32
    %sub3A_21 = arith.subi %mul3A_2, %mul3A_20 : i32
    "tpu.region"() ({
      %run_scoped3A = tpu.sem_alloc : memref<!tpu.dma_semaphore, #tpu.memory_space<semaphore_mem>>
      %dma_start3A = arith.constant 0 : i32
      %dma_start3A_31 = tpu.memref_slice %arg2[%dma_start3A, %mul3A_20] : memref<2x320000xi32, #tpu.memory_space<hbm>> -> memref<2x10112xi32, #tpu.memory_space<hbm>>
      %dma_start3A_32 = arith.constant 0 : i32
      %dma_start3A_33 = tpu.memref_slice %arg2[%dma_start3A_32, %mul3A_20] : memref<2x320000xi32, #tpu.memory_space<hbm>> -> memref<2x10112xi32, #tpu.memory_space<hbm>>
      tpu.enqueue_dma source(%dma_start3A_33 : memref<2x10112xi32, #tpu.memory_space<hbm>>) target(%arg5 : memref<2x10112xi32, #tpu.memory_space<vmem>>) target_semaphore(%run_scoped3A : memref<!tpu.dma_semaphore, #tpu.memory_space<semaphore_mem>>)
      %dma_wait3A = arith.constant 0 : i32
      %dma_wait3A_34 = tpu.memref_slice %arg2[%dma_wait3A, %mul3A_20] : memref<2x320000xi32, #tpu.memory_space<hbm>> -> memref<2x10112xi32, #tpu.memory_space<hbm>>
      %dma_wait3A_35 = arith.constant 0 : i32
      %dma_wait3A_36 = tpu.memref_slice %arg2[%dma_wait3A_35, %mul3A_20] : memref<2x320000xi32, #tpu.memory_space<hbm>> -> memref<2x10112xi32, #tpu.memory_space<hbm>>
      tpu.wait_dma2 semaphore(%run_scoped3A : memref<!tpu.dma_semaphore, #tpu.memory_space<semaphore_mem>>) src(%dma_wait3A_36 : memref<2x10112xi32, #tpu.memory_space<hbm>>) dst(%arg5 : memref<2x10112xi32, #tpu.memory_space<vmem>>)
      tpu.yield
    }) : () -> ()
    "tpu.region"() ({
      %run_scoped3A = tpu.sem_alloc : memref<!tpu.dma_semaphore, #tpu.memory_space<semaphore_mem>>
      %dma_start3A = tpu.memref_slice %arg3[%mul3A_2] : memref<320000xf32, #tpu.memory_space<hbm>> -> memref<10000xf32, #tpu.memory_space<hbm>>
      %dma_start3A_31 = tpu.memref_slice %arg3[%mul3A_2] : memref<320000xf32, #tpu.memory_space<hbm>> -> memref<10000xf32, #tpu.memory_space<hbm>>
      tpu.enqueue_dma source(%dma_start3A_31 : memref<10000xf32, #tpu.memory_space<hbm>>) target(%arg6 : memref<10000xf32, #tpu.memory_space<vmem>>) target_semaphore(%run_scoped3A : memref<!tpu.dma_semaphore, #tpu.memory_space<semaphore_mem>>)
      %dma_wait3A = tpu.memref_slice %arg3[%mul3A_2] : memref<320000xf32, #tpu.memory_space<hbm>> -> memref<10000xf32, #tpu.memory_space<hbm>>
      %dma_wait3A_32 = tpu.memref_slice %arg3[%mul3A_2] : memref<320000xf32, #tpu.memory_space<hbm>> -> memref<10000xf32, #tpu.memory_space<hbm>>
      tpu.wait_dma2 semaphore(%run_scoped3A : memref<!tpu.dma_semaphore, #tpu.memory_space<semaphore_mem>>) src(%dma_wait3A_32 : memref<10000xf32, #tpu.memory_space<hbm>>) dst(%arg6 : memref<10000xf32, #tpu.memory_space<vmem>>)
      tpu.yield
    }) : () -> ()
    %broadcast_in_dim3A = arith.constant 0.000000e+00 : f32
    %broadcast_in_dim3A_22 = vector.broadcast %broadcast_in_dim3A : f32 to vector<16xf32>
    %parallel_loop3A = arith.constant 0 : i32
    %parallel_loop3A_23 = arith.constant 10000 : i32
    %parallel_loop3A_24 = arith.constant 16 : i32
    scf.for %parallel_loop3A_31 = %parallel_loop3A to %parallel_loop3A_23 step %parallel_loop3A_24  : i32 {
      %parallel_loop3A_32 = arith.index_cast %parallel_loop3A_31 : i32 to index
      %parallel_loop3A_33 = tpu.vector_load %arg7[%parallel_loop3A_32] {strides = array<i32>} : memref<10000xf32, #tpu.memory_space<vmem>>, vector<16xf32>,
      tpu.vector_store %arg7[%parallel_loop3A_32], %broadcast_in_dim3A_22 {strides = array<i32>} : memref<10000xf32, #tpu.memory_space<vmem>>, vector<16xf32>,
    } {sc.loop_unroll_factor = 8 : i64, sc.parallel_access}
    %parallel_loop3A_25 = arith.constant 0 : i32
    %parallel_loop3A_26 = arith.constant 10000 : i32
    %parallel_loop3A_27 = arith.constant 16 : i32
    scf.for %parallel_loop3A_31 = %parallel_loop3A_25 to %parallel_loop3A_26 step %parallel_loop3A_27  : i32 {
      %parallel_loop3A_32 = arith.addi %sub3A_21, %parallel_loop3A_31 : i32
      %parallel_loop3A_33 = arith.constant 1 : i32
      %parallel_loop3A_34 = arith.index_cast %parallel_loop3A_33 : i32 to index
      %parallel_loop3A_35 = arith.index_cast %parallel_loop3A_32 : i32 to index
      %parallel_loop3A_36 = tpu.vector_load %arg5[%parallel_loop3A_34, %parallel_loop3A_35] {strides = array<i32>} : memref<2x10112xi32, #tpu.memory_space<vmem>>, vector<16xi32>,
      %parallel_loop3A_37 = arith.index_cast %parallel_loop3A_31 : i32 to index
      %parallel_loop3A_38 = tpu.vector_load %arg6[%parallel_loop3A_37] {strides = array<i32>} : memref<10000xf32, #tpu.memory_space<vmem>>, vector<16xf32>,
      tpu.vector_store_idx %arg7[%parallel_loop3A_36], %parallel_loop3A_38 {add = true} : memref<10000xf32, #tpu.memory_space<vmem>>[vector<16xi32>], vector<16xf32>,
    } {sc.loop_unroll_factor = 8 : i64, sc.parallel_access}
    %mul3A_28 = arith.constant 2 : i32
    %mul3A_29 = arith.muli %arg1, %mul3A_28 : i32
    %add3A_30 = arith.addi %mul3A_29, %arg0 : i32
    "tpu.region"() ({
      %run_scoped3A = tpu.sem_alloc : memref<!tpu.dma_semaphore, #tpu.memory_space<semaphore_mem>>
      %dma_start3A = arith.constant 0 : i32
      %dma_start3A_31 = tpu.memref_slice %arg4[%add3A_30, %dma_start3A] : memref<32x10000xf32, #tpu.memory_space<hbm>> -> memref<1x10000xf32, #tpu.memory_space<hbm>>
      %dma_start3A_32 = tpu.memref_squeeze %dma_start3A_31 : memref<1x10000xf32, #tpu.memory_space<hbm>> -> memref<10000xf32, #tpu.memory_space<hbm>>
      %dma_start3A_33 = arith.constant 0 : i32
      %dma_start3A_34 = tpu.memref_slice %arg4[%add3A_30, %dma_start3A_33] : memref<32x10000xf32, #tpu.memory_space<hbm>> -> memref<1x10000xf32, #tpu.memory_space<hbm>>
      %dma_start3A_35 = tpu.memref_squeeze %dma_start3A_34 : memref<1x10000xf32, #tpu.memory_space<hbm>> -> memref<10000xf32, #tpu.memory_space<hbm>>
      tpu.enqueue_dma source(%arg7 : memref<10000xf32, #tpu.memory_space<vmem>>) target(%dma_start3A_35 : memref<10000xf32, #tpu.memory_space<hbm>>) target_semaphore(%run_scoped3A : memref<!tpu.dma_semaphore, #tpu.memory_space<semaphore_mem>>)
      %dma_wait3A = arith.constant 0 : i32
      %dma_wait3A_36 = tpu.memref_slice %arg4[%add3A_30, %dma_wait3A] : memref<32x10000xf32, #tpu.memory_space<hbm>> -> memref<1x10000xf32, #tpu.memory_space<hbm>>
      %dma_wait3A_37 = tpu.memref_squeeze %dma_wait3A_36 : memref<1x10000xf32, #tpu.memory_space<hbm>> -> memref<10000xf32, #tpu.memory_space<hbm>>
      %dma_wait3A_38 = arith.constant 0 : i32
      %dma_wait3A_39 = tpu.memref_slice %arg4[%add3A_30, %dma_wait3A_38] : memref<32x10000xf32, #tpu.memory_space<hbm>> -> memref<1x10000xf32, #tpu.memory_space<hbm>>
      %dma_wait3A_40 = tpu.memref_squeeze %dma_wait3A_39 : memref<1x10000xf32, #tpu.memory_space<hbm>> -> memref<10000xf32, #tpu.memory_space<hbm>>
      tpu.wait_dma2 semaphore(%run_scoped3A : memref<!tpu.dma_semaphore, #tpu.memory_space<semaphore_mem>>) src(%arg7 : memref<10000xf32, #tpu.memory_space<vmem>>) dst(%dma_wait3A_40 : memref<10000xf32, #tpu.memory_space<hbm>>)
      tpu.yield
    }) : () -> ()
    return
  }
}

#map = affine_map<(d0, d1) -> (0, 0)>
#map1 = affine_map<(d0, d1) -> (0)>
module attributes {stable_mosaic.version = 14 : i64} {
  func.func @_sc_edges(%arg0: i32, %arg1: i32, %arg2: memref<2x320000xi32, #tpu.memory_space<hbm>>, %arg3: memref<320000xf32, #tpu.memory_space<hbm>>, %arg4: memref<10000xf32, #tpu.memory_space<hbm>>, %arg5: memref<32x10000xf32, #tpu.memory_space<hbm>>, %arg6: memref<32x10000xf32, #tpu.memory_space<hbm>>, %arg7: memref<2x10112xi32, #tpu.memory_space<vmem>>, %arg8: memref<10000xf32, #tpu.memory_space<vmem>>, %arg9: memref<10000xf32, #tpu.memory_space<vmem>>, %arg10: memref<10000xf32, #tpu.memory_space<vmem>>, %arg11: memref<10000xf32, #tpu.memory_space<vmem>>) attributes {dimension_semantics = [#tpu.dimension_semantics<core_parallel>, #tpu.dimension_semantics<subcore_parallel>], iteration_bounds = array<i64: 2, 16>, scalar_prefetch = 0 : i64, scratch_operands = 5 : i64, tpu.core_type = #tpu.core_type<sc_vector_subcore>, window_params = [{transform_indices = #map}, {transform_indices = #map1}, {transform_indices = #map1}, {transform_indices = #map}, {transform_indices = #map}]} {
    %mul3A = arith.constant 2 : i32
    %mul3A_0 = arith.muli %arg1, %mul3A : i32
    %add3A = arith.addi %mul3A_0, %arg0 : i32
    %mul3A_1 = arith.constant 10000 : i32
    %mul3A_2 = arith.muli %add3A, %mul3A_1 : i32
    %jit3A = arith.constant 128 : i32
    %div3A = arith.divsi %mul3A_2, %jit3A : i32
    %sign3A = arith.constant 0 : i32
    %sign3A_3 = arith.cmpi sgt, %mul3A_2, %sign3A : i32
    %sign3A_4 = arith.extui %sign3A_3 : i1 to i32
    %sign3A_5 = arith.constant 0 : i32
    %sign3A_6 = arith.cmpi slt, %mul3A_2, %sign3A_5 : i32
    %sign3A_7 = arith.extui %sign3A_6 : i1 to i32
    %sign3A_8 = arith.subi %sign3A_4, %sign3A_7 : i32
    %sign3A_9 = arith.constant 0 : i32
    %sign3A_10 = arith.cmpi sgt, %jit3A, %sign3A_9 : i32
    %sign3A_11 = arith.extui %sign3A_10 : i1 to i32
    %sign3A_12 = arith.constant 0 : i32
    %sign3A_13 = arith.cmpi slt, %jit3A, %sign3A_12 : i32
    %sign3A_14 = arith.extui %sign3A_13 : i1 to i32
    %sign3A_15 = arith.subi %sign3A_11, %sign3A_14 : i32
    %ne3A = arith.cmpi ne, %sign3A_8, %sign3A_15 : i32
    %rem3A = arith.remsi %mul3A_2, %jit3A : i32
    %ne3A_16 = arith.constant 0 : i32
    %ne3A_17 = arith.cmpi ne, %rem3A, %ne3A_16 : i32
    %and3A = arith.andi %ne3A, %ne3A_17 : i1
    %sub3A = arith.constant 1 : i32
    %sub3A_18 = arith.subi %div3A, %sub3A : i32
    %select_n3A = arith.select %and3A, %sub3A_18, %div3A : i32
    %mul3A_19 = arith.constant 128 : i32
    %mul3A_20 = arith.muli %select_n3A, %mul3A_19 : i32
    %sub3A_21 = arith.subi %mul3A_2, %mul3A_20 : i32
    "tpu.region"() ({
      %run_scoped3A = tpu.sem_alloc : memref<!tpu.dma_semaphore, #tpu.memory_space<semaphore_mem>>
      tpu.enqueue_dma source(%arg4 : memref<10000xf32, #tpu.memory_space<hbm>>) target(%arg9 : memref<10000xf32, #tpu.memory_space<vmem>>) target_semaphore(%run_scoped3A : memref<!tpu.dma_semaphore, #tpu.memory_space<semaphore_mem>>)
      tpu.wait_dma2 semaphore(%run_scoped3A : memref<!tpu.dma_semaphore, #tpu.memory_space<semaphore_mem>>) src(%arg4 : memref<10000xf32, #tpu.memory_space<hbm>>) dst(%arg9 : memref<10000xf32, #tpu.memory_space<vmem>>)
      tpu.yield
    }) : () -> ()
    "tpu.region"() ({
      %run_scoped3A = tpu.sem_alloc : memref<!tpu.dma_semaphore, #tpu.memory_space<semaphore_mem>>
      %dma_start3A = arith.constant 0 : i32
      %dma_start3A_39 = tpu.memref_slice %arg2[%dma_start3A, %mul3A_20] : memref<2x320000xi32, #tpu.memory_space<hbm>> -> memref<2x10112xi32, #tpu.memory_space<hbm>>
      %dma_start3A_40 = arith.constant 0 : i32
      %dma_start3A_41 = tpu.memref_slice %arg2[%dma_start3A_40, %mul3A_20] : memref<2x320000xi32, #tpu.memory_space<hbm>> -> memref<2x10112xi32, #tpu.memory_space<hbm>>
      tpu.enqueue_dma source(%dma_start3A_41 : memref<2x10112xi32, #tpu.memory_space<hbm>>) target(%arg7 : memref<2x10112xi32, #tpu.memory_space<vmem>>) target_semaphore(%run_scoped3A : memref<!tpu.dma_semaphore, #tpu.memory_space<semaphore_mem>>)
      %dma_wait3A = arith.constant 0 : i32
      %dma_wait3A_42 = tpu.memref_slice %arg2[%dma_wait3A, %mul3A_20] : memref<2x320000xi32, #tpu.memory_space<hbm>> -> memref<2x10112xi32, #tpu.memory_space<hbm>>
      %dma_wait3A_43 = arith.constant 0 : i32
      %dma_wait3A_44 = tpu.memref_slice %arg2[%dma_wait3A_43, %mul3A_20] : memref<2x320000xi32, #tpu.memory_space<hbm>> -> memref<2x10112xi32, #tpu.memory_space<hbm>>
      tpu.wait_dma2 semaphore(%run_scoped3A : memref<!tpu.dma_semaphore, #tpu.memory_space<semaphore_mem>>) src(%dma_wait3A_44 : memref<2x10112xi32, #tpu.memory_space<hbm>>) dst(%arg7 : memref<2x10112xi32, #tpu.memory_space<vmem>>)
      tpu.yield
    }) : () -> ()
    "tpu.region"() ({
      %run_scoped3A = tpu.sem_alloc : memref<!tpu.dma_semaphore, #tpu.memory_space<semaphore_mem>>
      %dma_start3A = tpu.memref_slice %arg3[%mul3A_2] : memref<320000xf32, #tpu.memory_space<hbm>> -> memref<10000xf32, #tpu.memory_space<hbm>>
      %dma_start3A_39 = tpu.memref_slice %arg3[%mul3A_2] : memref<320000xf32, #tpu.memory_space<hbm>> -> memref<10000xf32, #tpu.memory_space<hbm>>
      tpu.enqueue_dma source(%dma_start3A_39 : memref<10000xf32, #tpu.memory_space<hbm>>) target(%arg8 : memref<10000xf32, #tpu.memory_space<vmem>>) target_semaphore(%run_scoped3A : memref<!tpu.dma_semaphore, #tpu.memory_space<semaphore_mem>>)
      %dma_wait3A = tpu.memref_slice %arg3[%mul3A_2] : memref<320000xf32, #tpu.memory_space<hbm>> -> memref<10000xf32, #tpu.memory_space<hbm>>
      %dma_wait3A_40 = tpu.memref_slice %arg3[%mul3A_2] : memref<320000xf32, #tpu.memory_space<hbm>> -> memref<10000xf32, #tpu.memory_space<hbm>>
      tpu.wait_dma2 semaphore(%run_scoped3A : memref<!tpu.dma_semaphore, #tpu.memory_space<semaphore_mem>>) src(%dma_wait3A_40 : memref<10000xf32, #tpu.memory_space<hbm>>) dst(%arg8 : memref<10000xf32, #tpu.memory_space<vmem>>)
      tpu.yield
    }) : () -> ()
    %broadcast_in_dim3A = arith.constant 0.000000e+00 : f32
    %broadcast_in_dim3A_22 = vector.broadcast %broadcast_in_dim3A : f32 to vector<16xf32>
    %parallel_loop3A = arith.constant 0 : i32
    %parallel_loop3A_23 = arith.constant 10000 : i32
    %parallel_loop3A_24 = arith.constant 16 : i32
    scf.for %parallel_loop3A_39 = %parallel_loop3A to %parallel_loop3A_23 step %parallel_loop3A_24  : i32 {
      %parallel_loop3A_40 = arith.index_cast %parallel_loop3A_39 : i32 to index
      %parallel_loop3A_41 = tpu.vector_load %arg10[%parallel_loop3A_40] {strides = array<i32>} : memref<10000xf32, #tpu.memory_space<vmem>>, vector<16xf32>,
      tpu.vector_store %arg10[%parallel_loop3A_40], %broadcast_in_dim3A_22 {strides = array<i32>} : memref<10000xf32, #tpu.memory_space<vmem>>, vector<16xf32>,
    } {sc.loop_unroll_factor = 8 : i64, sc.parallel_access}
    %broadcast_in_dim3A_25 = arith.constant 0.000000e+00 : f32
    %broadcast_in_dim3A_26 = vector.broadcast %broadcast_in_dim3A_25 : f32 to vector<16xf32>
    %parallel_loop3A_27 = arith.constant 0 : i32
    %parallel_loop3A_28 = arith.constant 10000 : i32
    %parallel_loop3A_29 = arith.constant 16 : i32
    scf.for %parallel_loop3A_39 = %parallel_loop3A_27 to %parallel_loop3A_28 step %parallel_loop3A_29  : i32 {
      %parallel_loop3A_40 = arith.index_cast %parallel_loop3A_39 : i32 to index
      %parallel_loop3A_41 = tpu.vector_load %arg11[%parallel_loop3A_40] {strides = array<i32>} : memref<10000xf32, #tpu.memory_space<vmem>>, vector<16xf32>,
      tpu.vector_store %arg11[%parallel_loop3A_40], %broadcast_in_dim3A_26 {strides = array<i32>} : memref<10000xf32, #tpu.memory_space<vmem>>, vector<16xf32>,
    } {sc.loop_unroll_factor = 8 : i64, sc.parallel_access}
    %parallel_loop3A_30 = arith.constant 0 : i32
    %parallel_loop3A_31 = arith.constant 10000 : i32
    %parallel_loop3A_32 = arith.constant 16 : i32
    scf.for %parallel_loop3A_39 = %parallel_loop3A_30 to %parallel_loop3A_31 step %parallel_loop3A_32  : i32 {
      %parallel_loop3A_40 = arith.addi %sub3A_21, %parallel_loop3A_39 : i32
      %parallel_loop3A_41 = arith.constant 0 : i32
      %parallel_loop3A_42 = arith.index_cast %parallel_loop3A_41 : i32 to index
      %parallel_loop3A_43 = arith.index_cast %parallel_loop3A_40 : i32 to index
      %parallel_loop3A_44 = tpu.vector_load %arg7[%parallel_loop3A_42, %parallel_loop3A_43] {strides = array<i32>} : memref<2x10112xi32, #tpu.memory_space<vmem>>, vector<16xi32>,
      %parallel_loop3A_45 = arith.addi %sub3A_21, %parallel_loop3A_39 : i32
      %parallel_loop3A_46 = arith.constant 1 : i32
      %parallel_loop3A_47 = arith.index_cast %parallel_loop3A_46 : i32 to index
      %parallel_loop3A_48 = arith.index_cast %parallel_loop3A_45 : i32 to index
      %parallel_loop3A_49 = tpu.vector_load %arg7[%parallel_loop3A_47, %parallel_loop3A_48] {strides = array<i32>} : memref<2x10112xi32, #tpu.memory_space<vmem>>, vector<16xi32>,
      %parallel_loop3A_50 = arith.index_cast %parallel_loop3A_39 : i32 to index
      %parallel_loop3A_51 = tpu.vector_load %arg8[%parallel_loop3A_50] {strides = array<i32>} : memref<10000xf32, #tpu.memory_space<vmem>>, vector<16xf32>,
      %parallel_loop3A_52 = tpu.vector_load_idx %arg9[%parallel_loop3A_44] : memref<10000xf32, #tpu.memory_space<vmem>>[vector<16xi32>], vector<16xf32>,
      %parallel_loop3A_53 = tpu.vector_load_idx %arg9[%parallel_loop3A_49] : memref<10000xf32, #tpu.memory_space<vmem>>[vector<16xi32>], vector<16xf32>,
      %parallel_loop3A_54 = arith.mulf %parallel_loop3A_52, %parallel_loop3A_51 : vector<16xf32>
      %parallel_loop3A_55 = arith.mulf %parallel_loop3A_54, %parallel_loop3A_53 : vector<16xf32>
      tpu.vector_store_idx %arg10[%parallel_loop3A_49], %parallel_loop3A_55 {add = true} : memref<10000xf32, #tpu.memory_space<vmem>>[vector<16xi32>], vector<16xf32>,
      tpu.vector_store_idx %arg11[%parallel_loop3A_44], %parallel_loop3A_55 {add = true} : memref<10000xf32, #tpu.memory_space<vmem>>[vector<16xi32>], vector<16xf32>,
    } {sc.loop_unroll_factor = 8 : i64, sc.parallel_access}
    %mul3A_33 = arith.constant 2 : i32
    %mul3A_34 = arith.muli %arg1, %mul3A_33 : i32
    %add3A_35 = arith.addi %mul3A_34, %arg0 : i32
    "tpu.region"() ({
      %run_scoped3A = tpu.sem_alloc : memref<!tpu.dma_semaphore, #tpu.memory_space<semaphore_mem>>
      %dma_start3A = arith.constant 0 : i32
      %dma_start3A_39 = tpu.memref_slice %arg5[%add3A_35, %dma_start3A] : memref<32x10000xf32, #tpu.memory_space<hbm>> -> memref<1x10000xf32, #tpu.memory_space<hbm>>
      %dma_start3A_40 = tpu.memref_squeeze %dma_start3A_39 : memref<1x10000xf32, #tpu.memory_space<hbm>> -> memref<10000xf32, #tpu.memory_space<hbm>>
      %dma_start3A_41 = arith.constant 0 : i32
      %dma_start3A_42 = tpu.memref_slice %arg5[%add3A_35, %dma_start3A_41] : memref<32x10000xf32, #tpu.memory_space<hbm>> -> memref<1x10000xf32, #tpu.memory_space<hbm>>
      %dma_start3A_43 = tpu.memref_squeeze %dma_start3A_42 : memref<1x10000xf32, #tpu.memory_space<hbm>> -> memref<10000xf32, #tpu.memory_space<hbm>>
      tpu.enqueue_dma source(%arg10 : memref<10000xf32, #tpu.memory_space<vmem>>) target(%dma_start3A_43 : memref<10000xf32, #tpu.memory_space<hbm>>) target_semaphore(%run_scoped3A : memref<!tpu.dma_semaphore, #tpu.memory_space<semaphore_mem>>)
      %dma_wait3A = arith.constant 0 : i32
      %dma_wait3A_44 = tpu.memref_slice %arg5[%add3A_35, %dma_wait3A] : memref<32x10000xf32, #tpu.memory_space<hbm>> -> memref<1x10000xf32, #tpu.memory_space<hbm>>
      %dma_wait3A_45 = tpu.memref_squeeze %dma_wait3A_44 : memref<1x10000xf32, #tpu.memory_space<hbm>> -> memref<10000xf32, #tpu.memory_space<hbm>>
      %dma_wait3A_46 = arith.constant 0 : i32
      %dma_wait3A_47 = tpu.memref_slice %arg5[%add3A_35, %dma_wait3A_46] : memref<32x10000xf32, #tpu.memory_space<hbm>> -> memref<1x10000xf32, #tpu.memory_space<hbm>>
      %dma_wait3A_48 = tpu.memref_squeeze %dma_wait3A_47 : memref<1x10000xf32, #tpu.memory_space<hbm>> -> memref<10000xf32, #tpu.memory_space<hbm>>
      tpu.wait_dma2 semaphore(%run_scoped3A : memref<!tpu.dma_semaphore, #tpu.memory_space<semaphore_mem>>) src(%arg10 : memref<10000xf32, #tpu.memory_space<vmem>>) dst(%dma_wait3A_48 : memref<10000xf32, #tpu.memory_space<hbm>>)
      tpu.yield
    }) : () -> ()
    %mul3A_36 = arith.constant 2 : i32
    %mul3A_37 = arith.muli %arg1, %mul3A_36 : i32
    %add3A_38 = arith.addi %mul3A_37, %arg0 : i32
    "tpu.region"() ({
      %run_scoped3A = tpu.sem_alloc : memref<!tpu.dma_semaphore, #tpu.memory_space<semaphore_mem>>
      %dma_start3A = arith.constant 0 : i32
      %dma_start3A_39 = tpu.memref_slice %arg6[%add3A_38, %dma_start3A] : memref<32x10000xf32, #tpu.memory_space<hbm>> -> memref<1x10000xf32, #tpu.memory_space<hbm>>
      %dma_start3A_40 = tpu.memref_squeeze %dma_start3A_39 : memref<1x10000xf32, #tpu.memory_space<hbm>> -> memref<10000xf32, #tpu.memory_space<hbm>>
      %dma_start3A_41 = arith.constant 0 : i32
      %dma_start3A_42 = tpu.memref_slice %arg6[%add3A_38, %dma_start3A_41] : memref<32x10000xf32, #tpu.memory_space<hbm>> -> memref<1x10000xf32, #tpu.memory_space<hbm>>
      %dma_start3A_43 = tpu.memref_squeeze %dma_start3A_42 : memref<1x10000xf32, #tpu.memory_space<hbm>> -> memref<10000xf32, #tpu.memory_space<hbm>>
      tpu.enqueue_dma source(%arg11 : memref<10000xf32, #tpu.memory_space<vmem>>) target(%dma_start3A_43 : memref<10000xf32, #tpu.memory_space<hbm>>) target_semaphore(%run_scoped3A : memref<!tpu.dma_semaphore, #tpu.memory_space<semaphore_mem>>)
      %dma_wait3A = arith.constant 0 : i32
      %dma_wait3A_44 = tpu.memref_slice %arg6[%add3A_38, %dma_wait3A] : memref<32x10000xf32, #tpu.memory_space<hbm>> -> memref<1x10000xf32, #tpu.memory_space<hbm>>
      %dma_wait3A_45 = tpu.memref_squeeze %dma_wait3A_44 : memref<1x10000xf32, #tpu.memory_space<hbm>> -> memref<10000xf32, #tpu.memory_space<hbm>>
      %dma_wait3A_46 = arith.constant 0 : i32
      %dma_wait3A_47 = tpu.memref_slice %arg6[%add3A_38, %dma_wait3A_46] : memref<32x10000xf32, #tpu.memory_space<hbm>> -> memref<1x10000xf32, #tpu.memory_space<hbm>>
      %dma_wait3A_48 = tpu.memref_squeeze %dma_wait3A_47 : memref<1x10000xf32, #tpu.memory_space<hbm>> -> memref<10000xf32, #tpu.memory_space<hbm>>
      tpu.wait_dma2 semaphore(%run_scoped3A : memref<!tpu.dma_semaphore, #tpu.memory_space<semaphore_mem>>) src(%arg11 : memref<10000xf32, #tpu.memory_space<vmem>>) dst(%dma_wait3A_48 : memref<10000xf32, #tpu.memory_space<hbm>>)
      tpu.yield
    }) : () -> ()
    return
  }
}

module attributes {stable_mosaic.version = 14 : i64} {
  func.func @_tc_norm_body(%arg0: memref<32x10000xf32, #tpu.memory_space<vmem>>, %arg1: memref<10000xf32, #tpu.memory_space<vmem>>, %arg2: memref<10000xf32, #tpu.memory_space<vmem>>) attributes {dimension_semantics = [], scalar_prefetch = 0 : i64, scratch_operands = 0 : i64, tpu.core_type = #tpu.core_type<tc>} {
    %get3A = arith.constant 0 : index
    %get3A_0 = arith.constant 0 : index
    %get3A_1 = vector.load %arg0[%get3A, %get3A_0] : memref<32x10000xf32, #tpu.memory_space<vmem>>, vector<32x10000xf32>
    %reduce_sum3A = arith.constant dense<0.000000e+00> : vector<10000xf32>
    %reduce_sum3A_2 = vector.multi_reduction <add>, %get3A_1, %reduce_sum3A [0] : vector<32x10000xf32> to vector<10000xf32>
    %broadcast_in_dim3A = vector.shape_cast %reduce_sum3A_2 : vector<10000xf32> to vector<1x10000xf32>
    %add3A = arith.constant 1.000000e+00 : f32
    %add3A_3 = vector.broadcast %add3A : f32 to vector<1x10000xf32>
    %add3A_4 = arith.addf %broadcast_in_dim3A, %add3A_3 : vector<1x10000xf32>
    %gt3A = arith.constant 0.000000e+00 : f32
    %gt3A_5 = vector.broadcast %gt3A : f32 to vector<1x10000xf32>
    %gt3A_6 = arith.cmpf ogt, %add3A_4, %gt3A_5 : vector<1x10000xf32>
    %rsqrt3A = math.rsqrt %add3A_4 : vector<1x10000xf32>
    %jit3A = arith.constant 0.000000e+00 : f32
    %broadcast_in_dim3A_7 = vector.broadcast %jit3A : f32 to vector<1x10000xf32>
    %select_n3A = arith.select %gt3A_6, %rsqrt3A, %broadcast_in_dim3A_7 : vector<1x10000xi1>, vector<1x10000xf32>
    %reshape3A = vector.shape_cast %select_n3A : vector<1x10000xf32> to vector<10000xf32>
    %swap3A = arith.constant 0 : index
    %swap3A_8 = vector.load %arg1[%swap3A] : memref<10000xf32, #tpu.memory_space<vmem>>, vector<10000xf32>
    tpu.vector_store %arg1[%swap3A], %reshape3A {strides = array<i32>} : memref<10000xf32, #tpu.memory_space<vmem>>, vector<10000xf32>,
    %div3A = arith.constant 1.000000e+00 : f32
    %div3A_9 = vector.broadcast %div3A : f32 to vector<1x10000xf32>
    %div3A_10 = arith.divf %div3A_9, %add3A_4 : vector<1x10000xf32>
    %jit3A_11 = arith.constant 0.000000e+00 : f32
    %broadcast_in_dim3A_12 = vector.broadcast %jit3A_11 : f32 to vector<1x10000xf32>
    %select_n3A_13 = arith.select %gt3A_6, %div3A_10, %broadcast_in_dim3A_12 : vector<1x10000xi1>, vector<1x10000xf32>
    %reshape3A_14 = vector.shape_cast %select_n3A_13 : vector<1x10000xf32> to vector<10000xf32>
    %swap3A_15 = arith.constant 0 : index
    %swap3A_16 = vector.load %arg2[%swap3A_15] : memref<10000xf32, #tpu.memory_space<vmem>>, vector<10000xf32>
    tpu.vector_store %arg2[%swap3A_15], %reshape3A_14 {strides = array<i32>} : memref<10000xf32, #tpu.memory_space<vmem>>, vector<10000xf32>,
    return
  }
}

module attributes {stable_mosaic.version = 14 : i64} {
  func.func @_tc_tail_body(%arg0: memref<32x10000xf32, #tpu.memory_space<vmem>>, %arg1: memref<32x10000xf32, #tpu.memory_space<vmem>>, %arg2: memref<10000xf32, #tpu.memory_space<vmem>>, %arg3: memref<128x128xf32, #tpu.memory_space<vmem>>, %arg4: memref<128x1xf32, #tpu.memory_space<vmem>>, %arg5: memref<128x128xf32, #tpu.memory_space<vmem>>, %arg6: memref<1x128xf32, #tpu.memory_space<vmem>>, %arg7: memref<1x128xf32, #tpu.memory_space<vmem>>) attributes {dimension_semantics = [], scalar_prefetch = 0 : i64, scratch_operands = 0 : i64, tpu.core_type = #tpu.core_type<tc>} {
    %get3A = arith.constant 0 : index
    %get3A_0 = vector.load %arg2[%get3A] : memref<10000xf32, #tpu.memory_space<vmem>>, vector<10000xf32>
    %reshape3A = vector.shape_cast %get3A_0 : vector<10000xf32> to vector<1x10000xf32>
    %get3A_1 = arith.constant 0 : index
    %get3A_2 = arith.constant 0 : index
    %get3A_3 = vector.load %arg0[%get3A_1, %get3A_2] : memref<32x10000xf32, #tpu.memory_space<vmem>>, vector<32x10000xf32>
    %reduce_sum3A = arith.constant dense<0.000000e+00> : vector<10000xf32>
    %reduce_sum3A_4 = vector.multi_reduction <add>, %get3A_3, %reduce_sum3A [0] : vector<32x10000xf32> to vector<10000xf32>
    %broadcast_in_dim3A = vector.shape_cast %reduce_sum3A_4 : vector<10000xf32> to vector<1x10000xf32>
    %add3A = arith.addf %broadcast_in_dim3A, %reshape3A : vector<1x10000xf32>
    %get3A_5 = arith.constant 0 : index
    %get3A_6 = arith.constant 0 : index
    %get3A_7 = vector.load %arg1[%get3A_5, %get3A_6] : memref<32x10000xf32, #tpu.memory_space<vmem>>, vector<32x10000xf32>
    %reduce_sum3A_8 = arith.constant dense<0.000000e+00> : vector<10000xf32>
    %reduce_sum3A_9 = vector.multi_reduction <add>, %get3A_7, %reduce_sum3A_8 [0] : vector<32x10000xf32> to vector<10000xf32>
    %broadcast_in_dim3A_10 = vector.shape_cast %reduce_sum3A_9 : vector<10000xf32> to vector<1x10000xf32>
    %add3A_11 = arith.addf %broadcast_in_dim3A_10, %reshape3A : vector<1x10000xf32>
    %broadcast_in_dim3A_12 = arith.constant 1.000000e+00 : f32
    %broadcast_in_dim3A_13 = vector.broadcast %broadcast_in_dim3A_12 : f32 to vector<128x1xf32>
    %get3A_14 = arith.constant 0 : index
    %get3A_15 = arith.constant 0 : index
    %get3A_16 = vector.load %arg3[%get3A_14, %get3A_15] : memref<128x128xf32, #tpu.memory_space<vmem>>, vector<128x128xf32>
    %dot_general3A = arith.constant dense<0.000000e+00> : vector<128x1xf32>
    %dot_general3A_17 = tpu.matmul %get3A_16, %broadcast_in_dim3A_13, %dot_general3A {dimension_numbers = #tpu.dot_dimension_numbers<[0], [0], [1], [1], [0, 1, 1, 1], [], []>, transpose_lhs_hint = false} : vector<128x128xf32>, vector<128x1xf32>, vector<128x1xf32> -> vector<128x1xf32>
    %mul3A = vector.broadcast %dot_general3A_17 : vector<128x1xf32> to vector<128x10000xf32>
    %mul3A_18 = vector.broadcast %add3A : vector<1x10000xf32> to vector<128x10000xf32>
    %mul3A_19 = arith.mulf %mul3A, %mul3A_18 : vector<128x10000xf32>
    %get3A_20 = arith.constant 0 : index
    %get3A_21 = arith.constant 0 : index
    %get3A_22 = vector.load %arg4[%get3A_20, %get3A_21] : memref<128x1xf32, #tpu.memory_space<vmem>>, vector<128x1xf32>
    %add3A_23 = vector.broadcast %get3A_22 : vector<128x1xf32> to vector<128x10000xf32>
    %add3A_24 = arith.addf %mul3A_19, %add3A_23 : vector<128x10000xf32>
    %max3A = arith.constant 0.000000e+00 : f32
    %max3A_25 = vector.broadcast %max3A : f32 to vector<128x10000xf32>
    %max3A_26 = arith.maximumf %add3A_24, %max3A_25 : vector<128x10000xf32>
    %mul3A_27 = vector.broadcast %add3A_11 : vector<1x10000xf32> to vector<128x10000xf32>
    %mul3A_28 = arith.mulf %max3A_26, %mul3A_27 : vector<128x10000xf32>
    %reduce_sum3A_29 = arith.constant dense<0.000000e+00> : vector<128xf32>
    %reduce_sum3A_30 = vector.multi_reduction <add>, %mul3A_28, %reduce_sum3A_29 [1] : vector<128x10000xf32> to vector<128xf32>
    %broadcast_in_dim3A_31 = vector.shape_cast %reduce_sum3A_30 : vector<128xf32> to vector<128x1xf32>
    %get3A_32 = arith.constant 0 : index
    %get3A_33 = arith.constant 0 : index
    %get3A_34 = vector.load %arg5[%get3A_32, %get3A_33] : memref<128x128xf32, #tpu.memory_space<vmem>>, vector<128x128xf32>
    %dot_general3A_35 = arith.constant dense<0.000000e+00> : vector<1x128xf32>
    %dot_general3A_36 = tpu.matmul %broadcast_in_dim3A_31, %get3A_34, %dot_general3A_35 {dimension_numbers = #tpu.dot_dimension_numbers<[0], [0], [1], [1], [0, 1, 1, 1], [], []>, transpose_lhs_hint = false} : vector<128x1xf32>, vector<128x128xf32>, vector<1x128xf32> -> vector<1x128xf32>
    %mul3A_37 = arith.constant 9.99999974E-5 : f32
    %mul3A_38 = vector.broadcast %mul3A_37 : f32 to vector<1x128xf32>
    %mul3A_39 = arith.mulf %dot_general3A_36, %mul3A_38 : vector<1x128xf32>
    %get3A_40 = arith.constant 0 : index
    %get3A_41 = arith.constant 0 : index
    %get3A_42 = vector.load %arg6[%get3A_40, %get3A_41] : memref<1x128xf32, #tpu.memory_space<vmem>>, vector<1x128xf32>
    %add3A_43 = arith.addf %mul3A_39, %get3A_42 : vector<1x128xf32>
    %swap3A = arith.constant 0 : index
    %swap3A_44 = arith.constant 0 : index
    %swap3A_45 = vector.load %arg7[%swap3A, %swap3A_44] : memref<1x128xf32, #tpu.memory_space<vmem>>, vector<1x128xf32>
    tpu.vector_store %arg7[%swap3A, %swap3A_44], %add3A_43 {strides = array<i32>} : memref<1x128xf32, #tpu.memory_space<vmem>>, vector<1x128xf32>,
    return
  }
}

</mosaic_0001>

<sc_bundles>
// kernel: kernel.6.cloned.1.call-start
scs
__scs_entry_jumppad:
0x0: {  	(pc) =	sbr.rel $0x88, $3  }
0x1: {  	(tag) =	ssettag $0x0;
	lr =	simm.s32 $0x1  }
0x2: {  	[smem:$0x3F9B] =	sst lr;
	_ =	strace $0xD0000000  }
0x3: {  	_ = 	snop  }
0x4: {  	_ = 	snop  }
0x5: {  	_ = 	snop  }
0x6: {  	_ = 	snop  }
0x7: {  	_ = 	snop  }
__scs_overlays_trampoline_lowered:
0x8: {  	[smem:$0x3FAA] =	sst s0  }
0x9: {  	[smem:$0x3FAB] =	sst s1  }
0xa: {  	[smem:$0x3FAC] =	sst s2  }
0xb: {  	[smem:$0x3FAD] =	sst s3  }
0xc: {  	[smem:$0x3FAE] =	sst s4  }
0xd: {  	[smem:$0x3FAF] =	sst s5  }
0xe: {  	[smem:$0x3FB0] =	sst s6  }
0xf: {  	[smem:$0x3FB1] =	sst s7  }
0x10: {  	[smem:$0x3FB2] =	sst s8  }
0x11: {  	[smem:$0x3FB3] =	sst s9;
	s0 =	simm.s32 @!p0 $0x0  }
0x12: {  	s1 =	sld [smem:$0x3F99];
	s0 =	simm.s32 @p0 $0x1  }
0x13: {  	[smem:$0x3FB4] =	sst s0;
	s0 =	simm.s32 @!p1 $0x0  }
0x14: {  	s2 =	sld [smem:$0x3F98];
	s0 =	simm.s32 @p1 $0x1  }
0x15: {  	[smem:$0x3FB5] =	sst s0;
	s0 =	simm.s32 @!p2 $0x0  }
0x16: {  	s3 =	sld [smem:$0x3FDB];
	s0 =	simm.s32 @p2 $0x1  }
0x17: {  	s4 =	simm.s32 $0x1BF5;
	[smem:$0x3FB7] =	sst s0  }
0x18: {  	s0 =	sld [smem:$0x3F9A];
	_ =	swait.ge [sflag:s4], $0x0  }
0x19: {  	s7 =	sld [smem:$0x3F9B]  }
0x1a: {  	s8 =	sadd.s32 $0xFFFFE003, lr  }
0x1b: {  	s9 =	sadd.s32 $0xFFFFFEF7, lr;
	s5 =	simm.s32 $0xFFFFFFFF;
	p2 =	slt.u32 s8, $0xFFFFF086  }
0x1c: {  	p1 =	slt.u32 s9, $0xF7A;
	s5 =	simm.s32 @!p2 $0x0  }
0x1d: {  	s5 =	simm.s32 @p1 $0x1;
	p0 =	seq.s32 s7, s2  }
0x1e: {  	s7 =	smul.u32 @!p0 $0xF7A, s2;
	p2 =	seq.s32 @!p0 s5, $0x0  }
0x1f: {  	s9 =	smul.u32 $0xF7A, s1;
	s8 =	simm.s32 @!p0 $0x1BF5;
	p2 =	por !p2, p0  }
0x20: {  	[sflag:s8] =	ssyncset.s32 @!p0 $0xFFFFF086;
	s6 =	sadd.s32 @!p0 s3, s7;
	s7 =	simm.s32 @!p0 $0x108  }
0x21: {  	s3 =	sadd.s32 s3, s9;
	s6 =	sadd.s32 @!p0 $0x88, s6;
	s7 =	simm.s32 @p2 $0x1082  }
0x22: {  	[simem:s7], [sflag:s8] =	dma.local @!p0 [hbm:s6], $0xF7A  }
0x23: {  	s9 =	sor.u32 $0xD0000000, s2;
	s6 =	simm.s32 $0x108;
	_ =	swait.ge @!p0 [sflag:s8], $0x0  }
0x24: {  	s3 =	sadd.s32 $0x88, s3;
	s6 =	simm.s32 @!p1 $0x1082;
	[sflag:s4] =	ssyncset.s32 $0xFFFFF086  }
0x25: {  	[simem:s6], [sflag:s4] =	dma.local [hbm:s3], $0xF7A  }
0x26: {  	[smem:$0x3F9B] =	sst s1;
	(tag) =	ssettag s2;
	_ =	strace s9  }
0x27: {  	s1 =	sld [smem:$0x3FAB]  }
0x28: {  	s2 =	sld [smem:$0x3FAC]  }
0x29: {  	s4 =	sld [smem:$0x3FAE]  }
0x2a: {  	p0 =	seq.s32 s5, $0x0;
	s5 =	sld [smem:$0x3FAF]  }
0x2b: {  	s6 =	sld [smem:$0x3FB0]  }
0x2c: {  	s7 =	sld [smem:$0x3FB1]  }
0x2d: {  	s3 =	simm.s32 $0x108;
	s8 =	sld [smem:$0x3FB2]  }
0x2e: {  	s3 =	simm.s32 @!p0 $0x1082;
	s9 =	sld [smem:$0x3FB3]  }
0x2f: {  	lr =	sadd.s32 s0, s3;
	s0 =	sld [smem:$0x3FAA]  }
0x30: {  	s3 =	sld [smem:$0x3FAD]  }
0x31: {  	[smem:$0x3FB6] =	sst s10  }
0x32: {  	s10 =	sld [smem:$0x3FB4];
	_ =	sdelay $0x3  }
0x33: {  	p0 =	seq.s32 s10, $0x1;
	s10 =	sld [smem:$0x3FB6];
	_ =	sdelay $0x3  }
0x34: {  	[smem:$0x3FB6] =	sst s10  }
0x35: {  	s10 =	sld [smem:$0x3FB5];
	_ =	sdelay $0x3  }
0x36: {  	p1 =	seq.s32 s10, $0x1;
	s10 =	sld [smem:$0x3FB6];
	_ =	sdelay $0x3  }
0x37: {  	[smem:$0x3FB6] =	sst s10  }
0x38: {  	s10 =	sld [smem:$0x3FB7]  }
0x39: {  	_ = 	snop;
	(pc) =	sbr.ind lr, $3  }
0x3a: {  	_ = 	snop  }
0x3b: {  	_ = 	snop  }
0x3c: {  	p2 =	seq.s32 s10, $0x1;
	s10 =	sld [smem:$0x3FB6]  }
0x3d: {  	_ =	shalt  }
0x3e: {  	_ =	shalt  }
0x3f: {  	_ =	shalt  }
0x40: {  	_ =	shalt  }
0x41: {  	_ =	shalt  }
0x42: {  	_ =	shalt  }
0x43: {  	_ =	shalt  }
0x44: {  	_ =	shalt  }
0x45: {  	_ =	shalt  }
0x46: {  	_ =	shalt  }
0x47: {  	_ =	shalt  }
0x48: {  	_ =	shalt  }
0x49: {  	_ =	shalt  }
0x4a: {  	_ =	shalt  }
0x4b: {  	_ =	shalt  }
0x4c: {  	_ =	shalt  }
0x4d: {  	_ =	shalt  }
0x4e: {  	_ =	shalt  }
0x4f: {  	_ =	shalt  }
0x50: {  	_ =	shalt  }
0x51: {  	_ =	shalt  }
0x52: {  	_ =	shalt  }
0x53: {  	_ =	shalt  }
0x54: {  	_ =	shalt  }
0x55: {  	_ =	shalt  }
0x56: {  	_ =	shalt  }
0x57: {  	_ =	shalt  }
0x58: {  	_ =	shalt  }
0x59: {  	_ =	shalt  }
0x5a: {  	_ =	shalt  }
0x5b: {  	_ =	shalt  }
0x5c: {  	_ =	shalt  }
0x5d: {  	_ =	shalt  }
0x5e: {  	_ =	shalt  }
0x5f: {  	_ =	shalt  }
0x60: {  	_ =	shalt  }
0x61: {  	_ =	shalt  }
0x62: {  	_ =	shalt  }
0x63: {  	_ =	shalt  }
0x64: {  	_ =	shalt  }
0x65: {  	_ =	shalt  }
0x66: {  	_ =	shalt  }
0x67: {  	_ =	shalt  }
0x68: {  	_ =	shalt  }
0x69: {  	_ =	shalt  }
0x6a: {  	_ =	shalt  }
0x6b: {  	_ =	shalt  }
0x6c: {  	_ =	shalt  }
0x6d: {  	_ =	shalt  }
0x6e: {  	_ =	shalt  }
0x6f: {  	_ =	shalt  }
0x70: {  	_ =	shalt  }
0x71: {  	_ =	shalt  }
0x72: {  	_ =	shalt  }
0x73: {  	_ =	shalt  }
0x74: {  	_ =	shalt  }
0x75: {  	_ =	shalt  }
0x76: {  	_ =	shalt  }
0x77: {  	_ =	shalt  }
0x78: {  	_ =	shalt  }
0x79: {  	_ =	shalt  }
0x7a: {  	_ =	shalt  }
0x7b: {  	_ =	shalt  }
0x7c: {  	_ =	shalt  }
0x7d: {  	_ =	shalt  }
0x7e: {  	_ =	shalt  }
0x7f: {  	_ =	shalt  }
0x80: {  	_ =	shalt  }
0x81: {  	_ =	shalt  }
0x82: {  	_ =	shalt  }
0x83: {  	_ =	shalt  }
0x84: {  	_ =	shalt  }
0x85: {  	_ =	shalt  }
0x86: {  	_ =	shalt  }
0x87: {  	_ =	shalt  }
.Lfunc_end0:
.L_simem_size_0:
called_computation_lowered:
.L_overlay_start_0:
0x88: {  	s2 =	sld [smem:$0x3FD9]  }
0x89: {  	s3 =	sld [smem:$0x3FFE];
	_ =	sdelay $0x1  }
0x8a: {  	s1 =	srdreg.scid  }
0x8b: {  	s0 =	sand.u32 $0x1, s1  }
0x8c: {  	s17 =	sshll.u32 s0, $0xA;
	s2 =	sadd.s32 s3, s2  }
0x8d: {  	s2 =	sadd.s32 s2, s17  }
0x8e: {  	[smem:$0x3FC2] =	sst s2  }
0x8f: {  	_ = 	snop  }
0x90: {  	s2 =	sld [smem:$0x3FC9]  }
0x91: {  	s18 =	sld [smem:$0x3FC8];
	(tm) =	ssettm $0x1  }
0x92: {  	s4 =	sld [smem:$0x3FFB];
	_ =	sdelay $0x3  }
0x93: {  	_ =	strace s4  }
0x94: {  	s4 =	sld [smem:$0x3FFC];
	_ =	sdelay $0x3  }
0x95: {  	_ =	strace s4  }
0x96: {  	s4 =	sld [smem:$0x3FFD];
	_ =	sdelay $0x3  }
0x97: {  	_ =	strace s4  }
0x98: {  	_ =	strace $0x8FFFFFFF  }
0x99: {  	s19 =	sld [smem:$0x3FDB];
	_ =	sdelay $0x1  }
0x9a: {  	s5 =	simm.s32 $_scs_section_size  }
0x9b: {  	s6 =	simm.s32 $_size__tile_overlayer_lowered;
	s7 =	simm.s32 $_tile_overlayer_lowered  }
0x9c: {  	s22 =	simm.s32 $0x1BFF;
	s21 =	sshll.u32 s7, $0x1;
	s4 =	sadd.s32 s5, s19  }
0x9d: {  	s8 =	simm.s32 $0x0;
	s20 =	sshll.u32 s6, $0x1;
	s6 =	sadd.s32 s21, s4  }
0x9e: {  	[timem:s8], [sflag:s22] =	dma.local [hbm:s6], s20  }
0x9f: {  	_ =	swait.ge [sflag:s22], s20  }
0xa0: {  	s5 =	ssub.s32 $0x0, s20;
	[sflag:s22] =	ssyncset.done $0x0  }
0xa1: {  	[sflag:s22] =	ssyncadd.s32 s5;
	_ =	sdelay $0x1  }
0xa2: {  	s23 =	simm.s32 $0x1B8B  }
0xa3: {  	_ =	swait.ge [sflag:s23], $0x1  }
0xa4: {  	[sflag:s23] =	ssyncset.done $0x0  }
0xa5: {  	s25 =	simm.s32 $0x1B8E;
	s24 =	sld [smem:$0x3FFE];
	[sflag:s23] =	ssyncadd.s32 $0xFFFFFFFF  }
0xa6: {  	s26 =	simm.s32 $execute0_lowered;
	[smem:$0x3FD2] =	sst s25  }
0xa7: {  	s6 =	sshll.u32 s26, $0x1;
	_ =	strace $0x80000046;
	[dreg:$0x1] =	wrdreg $0xFFFFFFFF  }
0xa8: {  	s28 =	simm.s32 $_size_execute0_lowered;
	s4 =	sadd.s32 s4, s6;
	[dreg:$0x0] =	wrdreg $0x0  }
0xa9: {  	s6 =	sshll.u32 s28, $0x1;
	[dreg:$0x2] =	wrdreg s4  }
0xaa: {  	[dreg:$0x3] =	wrdreg s6  }
0xab: {  	[dreg:$0x4] =	wrdreg $0xC0  }
0xac: {  	_ =	task [dreg:s8], $0x5FFFF  }
0xad: {  	[dreg:$0x1] =	wrdreg $0xFFFFFFFF  }
0xae: {  	[dreg:$0x0] =	wrdreg $0x60  }
0xaf: {  	[dreg:$0x2] =	wrdreg s2  }
0xb0: {  	[dreg:$0x3] =	wrdreg s18  }
0xb1: {  	[dreg:$0x4] =	wrdreg s24  }
0xb2: {  	[dreg:$0x5] =	wrdreg $0x9  }
0xb3: {  	_ =	task.clear_ibuf [dreg:s8], $0x6FFFF;
	_ =	strace $0x90000046  }
0xb4: {  	s29 =	simm.s32 $0x9;
	_ =	strace $0x80000048  }
0xb5: {  	_ =	swait.ge [sflag:s29], $0x1  }
0xb6: {  	[sflag:s29] =	ssyncadd.s32 $0xFFFFFFFF  }
0xb7: {  	_ =	strace $0x90000048  }
0xb8: {  	_ =	sfence  }
0xb9: {  	s30 =	sld [smem:$0x0];
	_ =	sdelay $0x2  }
0xba: {  	s31 =	sshll.u32 s1, $0xD;
	s1 =	sshrl.u32 s1, $0x2  }
0xbb: {  	s3 =	sand.u32 $0x4000, s31;
	s1 =	sadd.s32 s1, s30  }
0xbc: {  	s0 =	sor.u32 s3, s0;
	s1 =	sshll.u32 s1, $0x11  }
0xbd: {  	s0 =	sor.u32 s1, s0  }
0xbe: {  	s0 =	sadd.s32 $0x8F2B, s0  }
0xbf: {  	[sflag:s0] =	ssyncadd.remote.s32 $0x1  }
0xc0: {  	_ =	sfence.sel $0xFFFF  }
0xc1: {  	[dreg:$0x0] =	wrdreg $0xFFFFFFFF;
	(pc) =	sbr.abs _section_cstart, $3  }
0xc2: {  	[dreg:$0x1] =	wrdreg $0xFFFFFFFF  }
0xc3: {  	_ =	task.clear_ibuf [dreg:s8], $0x2FFFF;
	_ =	strace $0x9FFFFFFF  }
0xc4: {  	(tm) =	ssettm $0x7FFFFFFF  }
0xc5: {  	_ =	shalt  }
tec
execute0_lowered:
.L_overlay_start_1:
0x0: {  	(tag) =	ssettag $0x1  }
0x1: {  	s4 =	rddreg [dreg:$0x0]  }
0x2: {  	s1 =	srdreg.scid;
	s5 =	rddreg [dreg:$0x1]  }
0x3: {  	s0 =	stileid.u32;
	s6 =	rddreg [dreg:$0x2];
	s3 =	sand.u32 $0x1, s1  }
0x4: {  	s25 =	sshll.u32 s0, $0x1;
	s2 =	sshrl.u32 s0, $0x2;
	s26 =	smul.u32 $0x4E20, s0  }
0x5: {  	s1 =	rddreg [dreg:$0x3];
	s7 =	sor.u32 s3, s25;
	s8 =	smul.u32 $0x13C00, s2  }
0x6: {  	s2 =	simm.s32 $0x0;
	s10 =	ssub.s32 $0x2, s3;
	s3 =	smul.u32 $0x2710, s3  }
0x7: {  	s9 =	sshll.u32 s7, $0x7;
	s7 =	smul.u32 $0x2710, s7;
	[smem:$0x7FF] =	sst s2  }
0x8: {  	s28 =	sshrl.u32 s10, $0x1;
	s9 =	sand.u32 $0x380, s9;
	_ =	strace $0x80000047  }
0x9: {  	s8 =	sor.u32 s8, s9;
	s29 =	sshrl.u32 s7, $0x2;
	s9 =	sadd.s32 s3, s26  }
0xa: {  	s3 =	sand.u32 $0x70, s7;
	s7 =	sshrl.u32 s7, $0x3;
	s8 =	sshrl.u32 s8, $0x3  }
0xb: {  	s9 =	sshrl.u32 s9, $0x4;
	s5 =	sadd.s32 s5, s7;
	s6 =	sadd.s32 s8, s6  }
0xc: {  	s8 =	ssub.s32 s10, s28;
	s10 =	sand.u32 $0x1FFE0, s29;
	s30 =	sand.u32 $0x7, s9  }
0xd: {  	s31 =	sadd.s32 $0xFFFFFFFF, s9;
	s15 =	sadd.s32 $0x6, s9;
	s19 =	sadd.s32 $0x4, s9  }
0xe: {  	s24 =	sadd.s32 $0x2, s9;
	s4 =	sadd.s32 s4, s10;
	s11 =	sshll.u32 s30, $0x7  }
0xf: {  	s6 =	sadd.s32 $0x1E00, s6;
	s13 =	sand.u32 $0x7, s31;
	s7 =	smax.u32 s8, $0x1  }
0x10: {  	s29 =	sshll.u32 s30, $0x6;
	s12 =	sadd.s32 $0x3FC, s11;
	s13 =	sshll.u32 s13, $0x6  }
0x11: {  	s14 =	sadd.s32 $0x300, s11;
	s18 =	sadd.s32 $0x200, s11;
	s10 =	sor.u32 $0x200, s29  }
0x12: {  	s23 =	sadd.s32 $0x100, s11;
	s12 =	sand.u32 $0x400, s12;
	s30 =	sshrl.u32 s10, $0x2  }
0x13: {  	s10 =	simm.s32 $0x7680;
	s8 =	sor.u32 s13, s12;
	s12 =	sand.u32 $0x400, s14  }
0x14: {  	s13 =	sand.u32 $0x7, s15;
	s14 =	sadd.s32 $0x5, s9;
	s15 =	sadd.s32 $0x280, s11  }
0x15: {  	s13 =	sshll.u32 s13, $0x6;
	s14 =	sand.u32 $0x7, s14;
	s16 =	sand.u32 $0x400, s15  }
0x16: {  	s15 =	sor.u32 $0x200, s8;
	s8 =	sand.u32 $0x400, s18;
	s14 =	sshll.u32 s14, $0x6  }
0x17: {  	s12 =	sor.u32 s13, s12;
	s17 =	sor.u32 s14, s16;
	s14 =	sand.u32 $0x7, s19  }
0x18: {  	s16 =	sadd.s32 $0x3, s9;
	s9 =	sadd.s32 $0x1, s9;
	s13 =	sor.u32 $0x200, s17  }
0x19: {  	s14 =	sshll.u32 s14, $0x6;
	s17 =	sadd.s32 $0x180, s11;
	s16 =	sand.u32 $0x7, s16  }
0x1a: {  	s11 =	sadd.s32 $0x80, s11;
	s9 =	sand.u32 $0x7, s9;
	s8 =	sor.u32 s14, s8  }
0x1b: {  	s20 =	sand.u32 $0x400, s17;
	s16 =	sshll.u32 s16, $0x6;
	s11 =	sand.u32 $0x400, s11  }
0x1c: {  	s9 =	sshll.u32 s9, $0x6;
	s22 =	sor.u32 s16, s20;
	s16 =	sand.u32 $0x7, s24  }
0x1d: {  	s14 =	sand.u32 $0x400, s23;
	s9 =	sor.u32 s9, s11;
	s16 =	sshll.u32 s16, $0x6  }
0x1e: {  	s15 =	sshrl.u32 s15, $0x2;
	s28 =	sor.u32 $0x200, s9;
	s25 =	sor.u32 s16, s14  }
0x1f: {  	s12 =	sor.u32 $0x200, s12;
	v8 =	vmov s15;
	s14 =	sshrl.u32 s28, $0x2;
	s26 =	sor.u32 $0x200, s25  }
0x20: {  	s31 =	sshrl.u32 s12, $0x2;
	s12 =	simm.s32 $0x400;
	v2 =	vmov s14;
	s11 =	sshrl.u32 s26, $0x2  }
0x21: {  	s13 =	sshrl.u32 s13, $0x2;
	s21 =	sor.u32 $0x200, s8;
	s18 =	sor.u32 $0x200, s22;
	v3 =	vmov s11  }
0x22: {  	v0 =	vimm.f32 $0.0e+00;
	v1 =	vmov s30;
	v7 =	vmov s31;
	s8 =	simm.s32 $0x1;
	s17 =	sshrl.u32 s21, $0x2;
	s18 =	sshrl.u32 s18, $0x2  }
0x23: {  	v6 =	vmov s13;
	s13 =	simm.s32 $0x0;
	s9 =	simm.s32 $0x4F00;
	v5 =	vmov s17;
	v4 =	vmov s18;
	s11 =	simm.s32 $0x80  }
.LBB2_1:
0x24: {  	[tilespmem:s2], [sflag:$0x1] =	stream.linear.gather [hbm4b:s4+s2], $0x4F00, $0x38;
	[tilespmem:$0x9E00] =	vst v63  }
0x25: {  	_ =	swait.ge [sflag:s8], $0x4F00  }
0x26: {  	[sflag:s8] =	ssyncset.done $0x0  }
0x27: {  	[sflag:s8] =	ssyncadd.s32 $0xFFFFB100  }
0x28: {  	[tilespmem:s9], [sflag:$0x1] =	stream.linear.gather [hbm4b:s5+s2], $0x2710, $0x38;
	[tilespmem:$0x9E00] =	vst v63  }
0x29: {  	_ =	swait.ge [sflag:s8], $0x2710  }
0x2a: {  	[sflag:s8] =	ssyncset.done $0x0  }
0x2b: {  	s14 =	simm.s32 $0x76C0;
	[sflag:s8] =	ssyncadd.s32 $0xFFFFD8F0  }
0x2c: {  	[tilespmem:s14+$0xFFFFFFC0] =	vst v0  }
0x2d: {  	[tilespmem:s14+$0x30] =	vst v0  }
0x2e: {  	[tilespmem:s14+$0x20] =	vst v0  }
0x2f: {  	[tilespmem:s14+$0x10] =	vst v0  }
0x30: {  	[tilespmem:s14+$0x0] =	vst v0  }
0x31: {  	[tilespmem:s14+$0xFFFFFFF0] =	vst v0  }
0x32: {  	s15 =	simm.s32 $0x0;
	[tilespmem:s14+$0xFFFFFFE0] =	vst v0  }
.LBB2_2:
0x33: {  	s15 =	sadd.s32 $0x80, s15;
	[tilespmem:s14+$0xFFFFFFD0] =	vst v0;
	s14 =	sadd.s32 $0x80, s14  }
0x34: {  	[tilespmem:s14+$0xFFFFFFC0] =	vst v0;
	p0 =	slt.u32 s15, $0x2680  }
0x35: {  	[tilespmem:s14+$0x30] =	vst v0  }
.Ltmp0:
0x36: {  	[tilespmem:s14+$0x20] =	vst v0;
	(pc) =	sbr.rel @p0 .LBB2_2-.Ltmp0, $4  }
0x37: {  	[tilespmem:s14+$0x10] =	vst v0  }
0x38: {  	[tilespmem:s14+$0x0] =	vst v0  }
0x39: {  	[tilespmem:s14+$0xFFFFFFF0] =	vst v0  }
0x3a: {  	[tilespmem:s14+$0xFFFFFFE0] =	vst v0  }
0x3b: {  	_ =	sdelay $0x1  }
0x3c: {  	[tilespmem:s14+$0xFFFFFFD0] =	vst v0  }
0x3d: {  	s15 =	simm.s32 $0x0;
	[tilespmem:$0x9D80] =	vst v0  }
0x3e: {  	v9 =	vld.idx.msk [tilespmem:v8+s15+$0x0 ss:$0x1], $0xffff  }
0x3f: {  	v10 =	vld.idx.msk [tilespmem:v2+s15+$0x0 ss:$0x1], $0xffff  }
0x40: {  	s14 =	simm.s32 $0x4F40;
	v11 =	vld.idx.msk [tilespmem:v3+s15+$0x0 ss:$0x1], $0xffff  }
0x41: {  	v12 =	vld [tilespmem:s14+$0x30]  }
0x42: {  	v13 =	vld.idx.msk [tilespmem:v4+s15+$0x0 ss:$0x1], $0xffff  }
0x43: {  	v14 =	vld.idx.msk [tilespmem:v5+s15+$0x0 ss:$0x1], $0xffff  }
0x44: {  	v15 =	vld.idx.msk [tilespmem:v6+s15+$0x0 ss:$0x1], $0xffff  }
0x45: {  	v16 =	vld.idx.msk [tilespmem:v7+s15+$0x0 ss:$0x1], $0xffff  }
0x46: {  	v63 =	vld [tilespmem:s14+$0xFFFFFFC0]  }
0x47: {  	v17 =	vld [tilespmem:s14+$0xFFFFFFD0]  }
0x48: {  	v18 =	vld [tilespmem:s14+$0xFFFFFFE0]  }
0x49: {  	v19 =	vld [tilespmem:s14+$0xFFFFFFF0]  }
0x4a: {  	v20 =	vld [tilespmem:s14+$0x0]  }
0x4b: {  	v21 =	vld [tilespmem:s14+$0x10]  }
0x4c: {  	[tilespmem:v9+s10+$0x0] =	vst.idx.add.f32.msk $0xffff, v12  }
0x4d: {  	v9 =	vld.idx.msk [tilespmem:v1+s15+$0x0 ss:$0x1], $0xffff  }
0x4e: {  	v22 =	vld [tilespmem:s14+$0x20]  }
0x4f: {  	[tilespmem:v10+s10+$0x0] =	vst.idx.add.f32.msk $0xffff, v17  }
0x50: {  	[tilespmem:v11+s10+$0x0] =	vst.idx.add.f32.msk $0xffff, v18  }
0x51: {  	[tilespmem:v13+s10+$0x0] =	vst.idx.add.f32.msk $0xffff, v19  }
0x52: {  	[tilespmem:v14+s10+$0x0] =	vst.idx.add.f32.msk $0xffff, v20  }
0x53: {  	[tilespmem:v15+s10+$0x0] =	vst.idx.add.f32.msk $0xffff, v21  }
0x54: {  	[tilespmem:v16+s10+$0x0] =	vst.idx.add.f32.msk $0xffff, v22  }
0x55: {  	s16 =	simm.s32 $0x100;
	s15 =	simm.s32 $0x0;
	[tilespmem:v9+s10+$0x0] =	vst.idx.add.f32.msk $0xffff, v63  }
.LBB2_4:
0x56: {  	v9 =	vld.idx.msk [tilespmem:v8+s16+$0x0 ss:$0x1], $0xffff;
	s15 =	sadd.s32 $0x80, s15  }
0x57: {  	v10 =	vld.idx.msk [tilespmem:v2+s16+$0x0 ss:$0x1], $0xffff;
	p0 =	slt.u32 s15, $0x2680  }
0x58: {  	s14 =	sadd.s32 $0x80, s14;
	v11 =	vld.idx.msk [tilespmem:v3+s16+$0x0 ss:$0x1], $0xffff  }
0x59: {  	v12 =	vld [tilespmem:s14+$0x30]  }
0x5a: {  	v13 =	vld.idx.msk [tilespmem:v4+s16+$0x0 ss:$0x1], $0xffff  }
0x5b: {  	v14 =	vld.idx.msk [tilespmem:v5+s16+$0x0 ss:$0x1], $0xffff  }
0x5c: {  	v15 =	vld.idx.msk [tilespmem:v6+s16+$0x0 ss:$0x1], $0xffff  }
0x5d: {  	v16 =	vld.idx.msk [tilespmem:v7+s16+$0x0 ss:$0x1], $0xffff  }
0x5e: {  	[tilespmem:v9+s10+$0x0] =	vst.idx.add.f32.msk $0xffff, v12  }
0x5f: {  	v9 =	vld.idx.msk [tilespmem:v1+s16+$0x0 ss:$0x1], $0xffff  }
0x60: {  	v12 =	vld [tilespmem:s14+$0xFFFFFFC0]  }
0x61: {  	v17 =	vld [tilespmem:s14+$0xFFFFFFD0]  }
0x62: {  	v18 =	vld [tilespmem:s14+$0xFFFFFFE0]  }
0x63: {  	v19 =	vld [tilespmem:s14+$0xFFFFFFF0]  }
0x64: {  	v20 =	vld [tilespmem:s14+$0x0]  }
0x65: {  	v21 =	vld [tilespmem:s14+$0x10]  }
0x66: {  	v22 =	vld [tilespmem:s14+$0x20]  }
0x67: {  	[tilespmem:v9+s10+$0x0] =	vst.idx.add.f32.msk $0xffff, v12  }
0x68: {  	[tilespmem:v10+s10+$0x0] =	vst.idx.add.f32.msk $0xffff, v17  }
.Ltmp1:
0x69: {  	[tilespmem:v11+s10+$0x0] =	vst.idx.add.f32.msk $0xffff, v18;
	(pc) =	sbr.rel @p0 .LBB2_4-.Ltmp1, $4  }
0x6a: {  	[tilespmem:v13+s10+$0x0] =	vst.idx.add.f32.msk $0xffff, v19  }
0x6b: {  	[tilespmem:v14+s10+$0x0] =	vst.idx.add.f32.msk $0xffff, v20  }
0x6c: {  	[tilespmem:v15+s10+$0x0] =	vst.idx.add.f32.msk $0xffff, v21  }
0x6d: {  	s16 =	sadd.s32 $0x100, s16;
	[tilespmem:v16+s10+$0x0] =	vst.idx.add.f32.msk $0xffff, v22  }
0x6e: {  	v9 =	vld [tilespmem:s3+$0x4E80];
	_ =	sdelay $0x2  }
0x6f: {  	v10 =	vld [tilespmem:$0x7600];
	_ =	sdelay $0x2  }
0x70: {  	s13 =	sadd.s32 $0x1, s13  }
0x71: {  	p0 =	sne.s32 s13, s7  }
.Ltmp2:
0x72: {  	[tilespmem:v9+s10+$0x0] =	vst.idx.add.f32.msk $0xffff, v10;
	(pc) =	sbr.rel @p0 .LBB2_1-.Ltmp2, $4  }
0x73: {  	[hbm4b:s6+s11] =	stream.strided.scatter [tilespmem:s10], [sflag:$0x1], $0x2780, s12, s11, $0x38;
	[tilespmem:$0x9E00] =	vst v63  }
0x74: {  	_ =	swait.ge [sflag:s8], $0x2780  }
0x75: {  	[sflag:s8] =	ssyncset.done $0x0  }
0x76: {  	[sflag:s8] =	ssyncadd.s32 $0xFFFFD880  }
0x77: {  	_ =	sfence.sel $0x180000  }
0x78: {  	[bflag:$0x0] =	sbarrier.arrive $0xFFFF  }
0x79: {  	p0 =	sne.s32 s0, $0x0;
	_ =	strace $0x90000047  }
0x7a: {  	s0 =	sadd.s32 @!p0 $0x100000, s1;
	[bflag:$0x2] =	sbarrier.arrive $0xFFFF  }
0x7b: {  	[sflag:s0] =	ssyncadd.tile.s32 @!p0 $0x1;
	_ =	shalt  }
.Lfunc_end2:
_tile_overlayer_lowered:
.L_overlay_start_2:
0x7c: {  	(tag) =	ssettag $0x2  }
0x7d: {  	s0 =	rddreg [dreg:$0x0];
	s2 =	stileid.u32  }
0x7e: {  	s1 =	rddreg [dreg:$0x1];
	p0 =	sne.s32 s2, $0x0  }
0x7f: {  	s3 =	rddreg [dreg:$0x2];
	[bflag:$0x3] =	sbarrier.arrive $0xFFFF;
	s2 =	simm.s32 @!p0 $0x1C01  }
0x80: {  	[timem:s3], [sflag:s2] =	dma.local @!p0 [hbm:s0], s1  }
0x81: {  	s0 =	simm.s32 @!p0 $0x1  }
0x82: {  	_ =	swait.ge @!p0 [sflag:s0], s1  }
0x83: {  	s1 =	ssub.s32 @!p0 $0x0, s1;
	[sflag:s0] =	ssyncset.done @!p0 $0x0  }
0x84: {  	[sflag:s0] =	ssyncadd.s32 @!p0 s1  }
0x85: {  	[bflag:$0x3] =	sbarrier.arrive $0xFFFF  }
0x86: {  	_ =	shalt  }

// kernel: kernel.9.cloned.1.call-start
scs
__scs_entry_jumppad:
0x0: {  	(pc) =	sbr.rel $0x88, $3  }
0x1: {  	(tag) =	ssettag $0x0;
	lr =	simm.s32 $0x1  }
0x2: {  	[smem:$0x3F9B] =	sst lr;
	_ =	strace $0xD0000000  }
0x3: {  	_ = 	snop  }
0x4: {  	_ = 	snop  }
0x5: {  	_ = 	snop  }
0x6: {  	_ = 	snop  }
0x7: {  	_ = 	snop  }
__scs_overlays_trampoline_lowered:
0x8: {  	[smem:$0x3FAA] =	sst s0  }
0x9: {  	[smem:$0x3FAB] =	sst s1  }
0xa: {  	[smem:$0x3FAC] =	sst s2  }
0xb: {  	[smem:$0x3FAD] =	sst s3  }
0xc: {  	[smem:$0x3FAE] =	sst s4  }
0xd: {  	[smem:$0x3FAF] =	sst s5  }
0xe: {  	[smem:$0x3FB0] =	sst s6  }
0xf: {  	[smem:$0x3FB1] =	sst s7  }
0x10: {  	[smem:$0x3FB2] =	sst s8  }
0x11: {  	[smem:$0x3FB3] =	sst s9;
	s0 =	simm.s32 @!p0 $0x0  }
0x12: {  	s1 =	sld [smem:$0x3F99];
	s0 =	simm.s32 @p0 $0x1  }
0x13: {  	[smem:$0x3FB4] =	sst s0;
	s0 =	simm.s32 @!p1 $0x0  }
0x14: {  	s2 =	sld [smem:$0x3F98];
	s0 =	simm.s32 @p1 $0x1  }
0x15: {  	[smem:$0x3FB5] =	sst s0;
	s0 =	simm.s32 @!p2 $0x0  }
0x16: {  	s3 =	sld [smem:$0x3FDB];
	s0 =	simm.s32 @p2 $0x1  }
0x17: {  	s4 =	simm.s32 $0x1BF5;
	[smem:$0x3FB7] =	sst s0  }
0x18: {  	s0 =	sld [smem:$0x3F9A];
	_ =	swait.ge [sflag:s4], $0x0  }
0x19: {  	s7 =	sld [smem:$0x3F9B]  }
0x1a: {  	s8 =	sadd.s32 $0xFFFFE003, lr  }
0x1b: {  	s9 =	sadd.s32 $0xFFFFFEF7, lr;
	s5 =	simm.s32 $0xFFFFFFFF;
	p2 =	slt.u32 s8, $0xFFFFF086  }
0x1c: {  	p1 =	slt.u32 s9, $0xF7A;
	s5 =	simm.s32 @!p2 $0x0  }
0x1d: {  	s5 =	simm.s32 @p1 $0x1;
	p0 =	seq.s32 s7, s2  }
0x1e: {  	s7 =	smul.u32 @!p0 $0xF7A, s2;
	p2 =	seq.s32 @!p0 s5, $0x0  }
0x1f: {  	s9 =	smul.u32 $0xF7A, s1;
	s8 =	simm.s32 @!p0 $0x1BF5;
	p2 =	por !p2, p0  }
0x20: {  	[sflag:s8] =	ssyncset.s32 @!p0 $0xFFFFF086;
	s6 =	sadd.s32 @!p0 s3, s7;
	s7 =	simm.s32 @!p0 $0x108  }
0x21: {  	s3 =	sadd.s32 s3, s9;
	s6 =	sadd.s32 @!p0 $0x88, s6;
	s7 =	simm.s32 @p2 $0x1082  }
0x22: {  	[simem:s7], [sflag:s8] =	dma.local @!p0 [hbm:s6], $0xF7A  }
0x23: {  	s9 =	sor.u32 $0xD0000000, s2;
	s6 =	simm.s32 $0x108;
	_ =	swait.ge @!p0 [sflag:s8], $0x0  }
0x24: {  	s3 =	sadd.s32 $0x88, s3;
	s6 =	simm.s32 @!p1 $0x1082;
	[sflag:s4] =	ssyncset.s32 $0xFFFFF086  }
0x25: {  	[simem:s6], [sflag:s4] =	dma.local [hbm:s3], $0xF7A  }
0x26: {  	[smem:$0x3F9B] =	sst s1;
	(tag) =	ssettag s2;
	_ =	strace s9  }
0x27: {  	s1 =	sld [smem:$0x3FAB]  }
0x28: {  	s2 =	sld [smem:$0x3FAC]  }
0x29: {  	s4 =	sld [smem:$0x3FAE]  }
0x2a: {  	p0 =	seq.s32 s5, $0x0;
	s5 =	sld [smem:$0x3FAF]  }
0x2b: {  	s6 =	sld [smem:$0x3FB0]  }
0x2c: {  	s7 =	sld [smem:$0x3FB1]  }
0x2d: {  	s3 =	simm.s32 $0x108;
	s8 =	sld [smem:$0x3FB2]  }
0x2e: {  	s3 =	simm.s32 @!p0 $0x1082;
	s9 =	sld [smem:$0x3FB3]  }
0x2f: {  	lr =	sadd.s32 s0, s3;
	s0 =	sld [smem:$0x3FAA]  }
0x30: {  	s3 =	sld [smem:$0x3FAD]  }
0x31: {  	[smem:$0x3FB6] =	sst s10  }
0x32: {  	s10 =	sld [smem:$0x3FB4];
	_ =	sdelay $0x3  }
0x33: {  	p0 =	seq.s32 s10, $0x1;
	s10 =	sld [smem:$0x3FB6];
	_ =	sdelay $0x3  }
0x34: {  	[smem:$0x3FB6] =	sst s10  }
0x35: {  	s10 =	sld [smem:$0x3FB5];
	_ =	sdelay $0x3  }
0x36: {  	p1 =	seq.s32 s10, $0x1;
	s10 =	sld [smem:$0x3FB6];
	_ =	sdelay $0x3  }
0x37: {  	[smem:$0x3FB6] =	sst s10  }
0x38: {  	s10 =	sld [smem:$0x3FB7]  }
0x39: {  	_ = 	snop;
	(pc) =	sbr.ind lr, $3  }
0x3a: {  	_ = 	snop  }
0x3b: {  	_ = 	snop  }
0x3c: {  	p2 =	seq.s32 s10, $0x1;
	s10 =	sld [smem:$0x3FB6]  }
0x3d: {  	_ =	shalt  }
0x3e: {  	_ =	shalt  }
0x3f: {  	_ =	shalt  }
0x40: {  	_ =	shalt  }
0x41: {  	_ =	shalt  }
0x42: {  	_ =	shalt  }
0x43: {  	_ =	shalt  }
0x44: {  	_ =	shalt  }
0x45: {  	_ =	shalt  }
0x46: {  	_ =	shalt  }
0x47: {  	_ =	shalt  }
0x48: {  	_ =	shalt  }
0x49: {  	_ =	shalt  }
0x4a: {  	_ =	shalt  }
0x4b: {  	_ =	shalt  }
0x4c: {  	_ =	shalt  }
0x4d: {  	_ =	shalt  }
0x4e: {  	_ =	shalt  }
0x4f: {  	_ =	shalt  }
0x50: {  	_ =	shalt  }
0x51: {  	_ =	shalt  }
0x52: {  	_ =	shalt  }
0x53: {  	_ =	shalt  }
0x54: {  	_ =	shalt  }
0x55: {  	_ =	shalt  }
0x56: {  	_ =	shalt  }
0x57: {  	_ =	shalt  }
0x58: {  	_ =	shalt  }
0x59: {  	_ =	shalt  }
0x5a: {  	_ =	shalt  }
0x5b: {  	_ =	shalt  }
0x5c: {  	_ =	shalt  }
0x5d: {  	_ =	shalt  }
0x5e: {  	_ =	shalt  }
0x5f: {  	_ =	shalt  }
0x60: {  	_ =	shalt  }
0x61: {  	_ =	shalt  }
0x62: {  	_ =	shalt  }
0x63: {  	_ =	shalt  }
0x64: {  	_ =	shalt  }
0x65: {  	_ =	shalt  }
0x66: {  	_ =	shalt  }
0x67: {  	_ =	shalt  }
0x68: {  	_ =	shalt  }
0x69: {  	_ =	shalt  }
0x6a: {  	_ =	shalt  }
0x6b: {  	_ =	shalt  }
0x6c: {  	_ =	shalt  }
0x6d: {  	_ =	shalt  }
0x6e: {  	_ =	shalt  }
0x6f: {  	_ =	shalt  }
0x70: {  	_ =	shalt  }
0x71: {  	_ =	shalt  }
0x72: {  	_ =	shalt  }
0x73: {  	_ =	shalt  }
0x74: {  	_ =	shalt  }
0x75: {  	_ =	shalt  }
0x76: {  	_ =	shalt  }
0x77: {  	_ =	shalt  }
0x78: {  	_ =	shalt  }
0x79: {  	_ =	shalt  }
0x7a: {  	_ =	shalt  }
0x7b: {  	_ =	shalt  }
0x7c: {  	_ =	shalt  }
0x7d: {  	_ =	shalt  }
0x7e: {  	_ =	shalt  }
0x7f: {  	_ =	shalt  }
0x80: {  	_ =	shalt  }
0x81: {  	_ =	shalt  }
0x82: {  	_ =	shalt  }
0x83: {  	_ =	shalt  }
0x84: {  	_ =	shalt  }
0x85: {  	_ =	shalt  }
0x86: {  	_ =	shalt  }
0x87: {  	_ =	shalt  }
.Lfunc_end0:
.L_simem_size_0:
called_computation.1_lowered:
.L_overlay_start_0:
0x88: {  	s2 =	sld [smem:$0x3FD9]  }
0x89: {  	s3 =	sld [smem:$0x3FFE];
	_ =	sdelay $0x1  }
0x8a: {  	s1 =	srdreg.scid  }
0x8b: {  	s0 =	sand.u32 $0x1, s1  }
0x8c: {  	s17 =	sshll.u32 s0, $0xA;
	s2 =	sadd.s32 s3, s2  }
0x8d: {  	s2 =	sadd.s32 s2, s17  }
0x8e: {  	[smem:$0x3FC2] =	sst s2  }
0x8f: {  	_ = 	snop  }
0x90: {  	s2 =	sld [smem:$0x3FC9]  }
0x91: {  	s18 =	sld [smem:$0x3FC8];
	(tm) =	ssettm $0x1  }
0x92: {  	s4 =	sld [smem:$0x3FFB];
	_ =	sdelay $0x3  }
0x93: {  	_ =	strace s4  }
0x94: {  	s4 =	sld [smem:$0x3FFC];
	_ =	sdelay $0x3  }
0x95: {  	_ =	strace s4  }
0x96: {  	s4 =	sld [smem:$0x3FFD];
	_ =	sdelay $0x3  }
0x97: {  	_ =	strace s4  }
0x98: {  	_ =	strace $0x8FFFFFFF  }
0x99: {  	s19 =	sld [smem:$0x3FDB];
	_ =	sdelay $0x1  }
0x9a: {  	s5 =	simm.s32 $_scs_section_size  }
0x9b: {  	s6 =	simm.s32 $_size__tile_overlayer_lowered;
	s7 =	simm.s32 $_tile_overlayer_lowered  }
0x9c: {  	s22 =	simm.s32 $0x1BFF;
	s21 =	sshll.u32 s7, $0x1;
	s4 =	sadd.s32 s5, s19  }
0x9d: {  	s8 =	simm.s32 $0x0;
	s20 =	sshll.u32 s6, $0x1;
	s6 =	sadd.s32 s21, s4  }
0x9e: {  	[timem:s8], [sflag:s22] =	dma.local [hbm:s6], s20  }
0x9f: {  	_ =	swait.ge [sflag:s22], s20  }
0xa0: {  	s5 =	ssub.s32 $0x0, s20;
	[sflag:s22] =	ssyncset.done $0x0  }
0xa1: {  	[sflag:s22] =	ssyncadd.s32 s5;
	_ =	sdelay $0x1  }
0xa2: {  	s23 =	simm.s32 $0x1B8B  }
0xa3: {  	_ =	swait.ge [sflag:s23], $0x1  }
0xa4: {  	[sflag:s23] =	ssyncset.done $0x0  }
0xa5: {  	s25 =	simm.s32 $0x1B8E;
	s24 =	sld [smem:$0x3FFE];
	[sflag:s23] =	ssyncadd.s32 $0xFFFFFFFF  }
0xa6: {  	s26 =	simm.s32 $execute0_lowered;
	[smem:$0x3FD2] =	sst s25  }
0xa7: {  	s6 =	sshll.u32 s26, $0x1;
	_ =	strace $0x80000049;
	[dreg:$0x1] =	wrdreg $0xFFFFFFFF  }
0xa8: {  	s28 =	simm.s32 $_size_execute0_lowered;
	s4 =	sadd.s32 s4, s6;
	[dreg:$0x0] =	wrdreg $0x0  }
0xa9: {  	s6 =	sshll.u32 s28, $0x1;
	[dreg:$0x2] =	wrdreg s4  }
0xaa: {  	[dreg:$0x3] =	wrdreg s6  }
0xab: {  	[dreg:$0x4] =	wrdreg $0xC0  }
0xac: {  	_ =	task [dreg:s8], $0x5FFFF  }
0xad: {  	[dreg:$0x1] =	wrdreg $0xFFFFFFFF  }
0xae: {  	[dreg:$0x0] =	wrdreg $0x60  }
0xaf: {  	[dreg:$0x2] =	wrdreg s2  }
0xb0: {  	[dreg:$0x3] =	wrdreg s18  }
0xb1: {  	[dreg:$0x4] =	wrdreg s24  }
0xb2: {  	[dreg:$0x5] =	wrdreg $0x9  }
0xb3: {  	_ =	task.clear_ibuf [dreg:s8], $0x6FFFF;
	_ =	strace $0x90000049  }
0xb4: {  	s29 =	simm.s32 $0x9;
	_ =	strace $0x8000004B  }
0xb5: {  	_ =	swait.ge [sflag:s29], $0x1  }
0xb6: {  	[sflag:s29] =	ssyncadd.s32 $0xFFFFFFFF  }
0xb7: {  	_ =	strace $0x9000004B  }
0xb8: {  	_ =	sfence  }
0xb9: {  	s30 =	sld [smem:$0x0];
	_ =	sdelay $0x2  }
0xba: {  	s31 =	sshll.u32 s1, $0xD;
	s1 =	sshrl.u32 s1, $0x2  }
0xbb: {  	s3 =	sand.u32 $0x4000, s31;
	s1 =	sadd.s32 s1, s30  }
0xbc: {  	s0 =	sor.u32 s3, s0;
	s1 =	sshll.u32 s1, $0x11  }
0xbd: {  	s0 =	sor.u32 s1, s0  }
0xbe: {  	s0 =	sadd.s32 $0x8F2B, s0  }
0xbf: {  	[sflag:s0] =	ssyncadd.remote.s32 $0x1  }
0xc0: {  	_ =	sfence.sel $0xFFFF  }
0xc1: {  	[dreg:$0x0] =	wrdreg $0xFFFFFFFF;
	(pc) =	sbr.abs _section_cstart, $3  }
0xc2: {  	[dreg:$0x1] =	wrdreg $0xFFFFFFFF  }
0xc3: {  	_ =	task.clear_ibuf [dreg:s8], $0x2FFFF;
	_ =	strace $0x9FFFFFFF  }
0xc4: {  	(tm) =	ssettm $0x7FFFFFFF  }
0xc5: {  	_ =	shalt  }
tec
execute0_lowered:
.L_overlay_start_1:
0x0: {  	(tag) =	ssettag $0x1  }
0x1: {  	s5 =	rddreg [dreg:$0x0]  }
0x2: {  	s6 =	rddreg [dreg:$0x1]  }
0x3: {  	s4 =	rddreg [dreg:$0x2]  }
0x4: {  	s0 =	rddreg [dreg:$0x3]  }
0x5: {  	s3 =	srdreg.scid;
	s1 =	stileid.u32  }
0x6: {  	s2 =	simm.s32 $0x0;
	s7 =	sand.u32 $0x1, s3;
	s12 =	sshrl.u32 s1, $0x2  }
0x7: {  	s11 =	sshll.u32 s1, $0x1;
	[smem:$0x7FF] =	sst s2;
	s9 =	smul.u32 $0x13C00, s12  }
0x8: {  	s3 =	sadd.s32 $0x1E00, s4;
	s8 =	sor.u32 s7, s11;
	s11 =	smul.u32 $0x4E20, s1  }
0x9: {  	s13 =	ssub.s32 $0x2, s7;
	s7 =	smul.u32 $0x2710, s7;
	s10 =	sshll.u32 s8, $0x7  }
0xa: {  	_ =	strace $0x8000004A;
	s8 =	smul.u32 $0x2710, s8;
	s10 =	sand.u32 $0x380, s10  }
0xb: {  	s12 =	sshrl.u32 s13, $0x1;
	s7 =	sadd.s32 s7, s11;
	s9 =	sor.u32 s9, s10  }
0xc: {  	s10 =	ssub.s32 s13, s12;
	s14 =	sshrl.u32 s8, $0x2;
	s11 =	sshrl.u32 s7, $0x4  }
0xd: {  	s9 =	sshrl.u32 s9, $0x3;
	s12 =	sand.u32 $0x1FFE0, s14;
	s15 =	sand.u32 $0x7, s11  }
0xe: {  	s14 =	sadd.s32 $0xFFFFFFFF, s11;
	s19 =	sadd.s32 $0x6, s11;
	s20 =	sadd.s32 $0x5, s11  }
0xf: {  	s24 =	sadd.s32 $0x1, s11;
	s25 =	sadd.s32 $0x4, s11;
	s30 =	sadd.s32 $0x3, s11  }
0x10: {  	s11 =	sadd.s32 $0x2, s11;
	s9 =	sadd.s32 s9, s4;
	s4 =	sand.u32 $0x70, s8  }
0x11: {  	s5 =	sadd.s32 s5, s12;
	s8 =	sshrl.u32 s8, $0x3;
	s13 =	sshll.u32 s15, $0x7  }
0x12: {  	s14 =	sand.u32 $0x7, s14;
	s15 =	sshll.u32 s15, $0x6;
	s12 =	sand.u32 $0x7, s19  }
0x13: {  	s11 =	sand.u32 $0x7, s11;
	s6 =	sadd.s32 s6, s8;
	s7 =	sadd.s32 $0x2400, s9  }
0x14: {  	s8 =	sadd.s32 $0xC200, s9;
	s9 =	smax.u32 s10, $0x1;
	s16 =	sadd.s32 $0x3FC, s13  }
0x15: {  	s17 =	sshll.u32 s14, $0x6;
	s18 =	sadd.s32 $0x300, s13;
	s12 =	sshll.u32 s12, $0x6  }
0x16: {  	s14 =	sand.u32 $0x7, s20;
	s23 =	sadd.s32 $0x80, s13;
	s19 =	sadd.s32 $0x200, s13  }
0x17: {  	s29 =	sadd.s32 $0x180, s13;
	s11 =	sshll.u32 s11, $0x6;
	s15 =	sshrl.u32 s15, $0x2  }
0x18: {  	s10 =	sand.u32 $0x400, s16;
	s22 =	sshll.u32 s14, $0x6;
	s14 =	sand.u32 $0x7, s25  }
0x19: {  	s26 =	sand.u32 $0x400, s19;
	v1 =	vmov s15;
	s15 =	simm.s32 $0x80;
	s16 =	sor.u32 s17, s10  }
0x1a: {  	s10 =	sand.u32 $0x400, s18;
	s17 =	sadd.s32 $0x280, s13;
	s14 =	sshll.u32 s14, $0x6  }
0x1b: {  	s13 =	sadd.s32 $0x100, s13;
	s18 =	sor.u32 s12, s10;
	s21 =	sand.u32 $0x400, s17  }
0x1c: {  	s10 =	sand.u32 $0x400, s23;
	s12 =	sand.u32 $0x7, s24;
	s20 =	sor.u32 s14, s26  }
0x1d: {  	s13 =	sand.u32 $0x400, s13;
	s14 =	simm.s32 $0xC580;
	s12 =	sshll.u32 s12, $0x6  }
0x1e: {  	s31 =	sshrl.u32 s16, $0x2;
	s16 =	simm.s32 $0x400;
	s10 =	sor.u32 s12, s10  }
0x1f: {  	s17 =	sor.u32 s22, s21;
	s22 =	sor.u32 s11, s13;
	s28 =	sor.u32 $0x200, s10  }
0x20: {  	s11 =	simm.s32 $0x1;
	v8 =	vmov s31;
	s12 =	sand.u32 $0x7, s30;
	s19 =	sshrl.u32 s28, $0x2  }
0x21: {  	s13 =	simm.s32 $0x9E00;
	s10 =	sand.u32 $0x400, s29;
	s12 =	sshll.u32 s12, $0x6;
	v2 =	vmov s19  }
0x22: {  	s20 =	sshrl.u32 s20, $0x2;
	s22 =	sshrl.u32 s22, $0x2;
	s21 =	sor.u32 s12, s10  }
0x23: {  	v0 =	vimm.f32 $0.0e+00;
	s18 =	sshrl.u32 s18, $0x2;
	s17 =	sshrl.u32 s17, $0x2;
	v5 =	vmov s20;
	v3 =	vmov s22;
	s21 =	sshrl.u32 s21, $0x2  }
0x24: {  	v7 =	vmov s18;
	v6 =	vmov s17;
	s17 =	simm.s32 $0x0;
	s10 =	simm.s32 $0x7680;
	s12 =	simm.s32 $0x4F00;
	v4 =	vmov s21  }
.LBB2_1:
0x25: {  	[tilespmem:s10], [sflag:$0x1] =	stream.linear.gather [hbm4b:s3+s2], $0x2780, $0x38;
	[tilespmem:$0xED00] =	vst v63  }
0x26: {  	_ =	swait.ge [sflag:s11], $0x2780  }
0x27: {  	[sflag:s11] =	ssyncset.done $0x0  }
0x28: {  	[sflag:s11] =	ssyncadd.s32 $0xFFFFD880  }
0x29: {  	[tilespmem:s2], [sflag:$0x1] =	stream.linear.gather [hbm4b:s5+s2], $0x4F00, $0x38;
	[tilespmem:$0xED00] =	vst v63  }
0x2a: {  	_ =	swait.ge [sflag:s11], $0x4F00  }
0x2b: {  	[sflag:s11] =	ssyncset.done $0x0  }
0x2c: {  	[sflag:s11] =	ssyncadd.s32 $0xFFFFB100  }
0x2d: {  	[tilespmem:s12], [sflag:$0x1] =	stream.linear.gather [hbm4b:s6+s2], $0x2710, $0x38;
	[tilespmem:$0xED00] =	vst v63  }
0x2e: {  	_ =	swait.ge [sflag:s11], $0x2710  }
0x2f: {  	[sflag:s11] =	ssyncset.done $0x0  }
0x30: {  	s18 =	simm.s32 $0x9E40;
	[sflag:s11] =	ssyncadd.s32 $0xFFFFD8F0  }
0x31: {  	[tilespmem:s18+$0xFFFFFFC0] =	vst v0  }
0x32: {  	[tilespmem:s18+$0x30] =	vst v0  }
0x33: {  	[tilespmem:s18+$0x20] =	vst v0  }
0x34: {  	[tilespmem:s18+$0x10] =	vst v0  }
0x35: {  	[tilespmem:s18+$0x0] =	vst v0  }
0x36: {  	[tilespmem:s18+$0xFFFFFFF0] =	vst v0  }
0x37: {  	s19 =	simm.s32 $0x0;
	[tilespmem:s18+$0xFFFFFFE0] =	vst v0  }
.LBB2_2:
0x38: {  	s19 =	sadd.s32 $0x80, s19;
	[tilespmem:s18+$0xFFFFFFD0] =	vst v0;
	s18 =	sadd.s32 $0x80, s18  }
0x39: {  	[tilespmem:s18+$0xFFFFFFC0] =	vst v0;
	p0 =	slt.u32 s19, $0x2680  }
0x3a: {  	[tilespmem:s18+$0x30] =	vst v0  }
.Ltmp0:
0x3b: {  	[tilespmem:s18+$0x20] =	vst v0;
	(pc) =	sbr.rel @p0 .LBB2_2-.Ltmp0, $4  }
0x3c: {  	[tilespmem:s18+$0x10] =	vst v0  }
0x3d: {  	[tilespmem:s18+$0x0] =	vst v0  }
0x3e: {  	[tilespmem:s18+$0xFFFFFFF0] =	vst v0  }
0x3f: {  	[tilespmem:s18+$0xFFFFFFE0] =	vst v0  }
0x40: {  	[tilespmem:s18+$0xFFFFFFD0] =	vst v0  }
0x41: {  	s18 =	simm.s32 $0xC5C0;
	[tilespmem:$0xC500] =	vst v0  }
0x42: {  	[tilespmem:s18+$0xFFFFFFC0] =	vst v0  }
0x43: {  	[tilespmem:s18+$0x30] =	vst v0  }
0x44: {  	[tilespmem:s18+$0x20] =	vst v0  }
0x45: {  	[tilespmem:s18+$0x10] =	vst v0  }
0x46: {  	[tilespmem:s18+$0x0] =	vst v0  }
0x47: {  	[tilespmem:s18+$0xFFFFFFF0] =	vst v0  }
0x48: {  	s19 =	simm.s32 $0x0;
	[tilespmem:s18+$0xFFFFFFE0] =	vst v0  }
.LBB2_4:
0x49: {  	s19 =	sadd.s32 $0x80, s19;
	[tilespmem:s18+$0xFFFFFFD0] =	vst v0;
	s18 =	sadd.s32 $0x80, s18  }
0x4a: {  	[tilespmem:s18+$0xFFFFFFC0] =	vst v0;
	p0 =	slt.u32 s19, $0x2680  }
0x4b: {  	[tilespmem:s18+$0x30] =	vst v0  }
.Ltmp1:
0x4c: {  	[tilespmem:s18+$0x20] =	vst v0;
	(pc) =	sbr.rel @p0 .LBB2_4-.Ltmp1, $4  }
0x4d: {  	[tilespmem:s18+$0x10] =	vst v0  }
0x4e: {  	[tilespmem:s18+$0x0] =	vst v0  }
0x4f: {  	[tilespmem:s18+$0xFFFFFFF0] =	vst v0  }
0x50: {  	[tilespmem:s18+$0xFFFFFFE0] =	vst v0  }
0x51: {  	_ =	sdelay $0x1  }
0x52: {  	[tilespmem:s18+$0xFFFFFFD0] =	vst v0  }
0x53: {  	s19 =	simm.s32 $0x0;
	[tilespmem:$0xEC80] =	vst v0  }
0x54: {  	v10 =	vld.idx.msk [tilespmem:v8+s19+$0x0 ss:$0x1], $0xffff  }
0x55: {  	v11 =	vld.idx.msk [tilespmem:v2+s19+$0xFFFFFF80 ss:$0x1], $0xffff  }
0x56: {  	v12 =	vld.idx.msk [tilespmem:v8+s19+$0x80 ss:$0x1], $0xffff  }
0x57: {  	v13 =	vld.idx.msk [tilespmem:v3+s19+$0x0 ss:$0x1], $0xffff  }
0x58: {  	v14 =	vld.idx.msk [tilespmem:v4+s19+$0x0 ss:$0x1], $0xffff  }
0x59: {  	v15 =	vld.idx.msk [tilespmem:v5+s19+$0x0 ss:$0x1], $0xffff  }
0x5a: {  	v16 =	vld.idx.msk [tilespmem:v6+s19+$0x0 ss:$0x1], $0xffff  }
0x5b: {  	s18 =	simm.s32 $0x4F40;
	v9 =	vld.idx.msk [tilespmem:v7+s19+$0x0 ss:$0x1], $0xffff  }
0x5c: {  	v18 =	vld [tilespmem:s18+$0x30]  }
0x5d: {  	v20 =	vld.idx.msk [tilespmem:v1+s19+$0x0 ss:$0x1], $0xffff  }
0x5e: {  	v21 =	vld.idx.msk [tilespmem:v1+s19+$0x80 ss:$0x1], $0xffff  }
0x5f: {  	v22 =	vld.idx.msk [tilespmem:v2+s19+$0x0 ss:$0x1], $0xffff  }
0x60: {  	v23 =	vld.idx.msk [tilespmem:v3+s19+$0x80 ss:$0x1], $0xffff  }
0x61: {  	v50 =	vld.idx.msk [tilespmem:v4+s19+$0x80 ss:$0x1], $0xffff  }
0x62: {  	v24 =	vld.idx.msk [tilespmem:v5+s19+$0x80 ss:$0x1], $0xffff  }
0x63: {  	v51 =	vld.idx.msk [tilespmem:v6+s19+$0x80 ss:$0x1], $0xffff  }
0x64: {  	v52 =	vld.idx.msk [tilespmem:v7+s19+$0x80 ss:$0x1], $0xffff  }
0x65: {  	v29 =	vld [tilespmem:s18+$0xFFFFFFC0]  }
0x66: {  	v17 =	vld.idx.msk [tilespmem:v10+s10+$0x0], $0xffff  }
0x67: {  	v32 =	vld [tilespmem:s18+$0xFFFFFFD0]  }
0x68: {  	v19 =	vld.idx.msk [tilespmem:v12+s10+$0x0], $0xffff  }
0x69: {  	v33 =	vld [tilespmem:s18+$0xFFFFFFE0]  }
0x6a: {  	v34 =	vld [tilespmem:s18+$0xFFFFFFF0]  }
0x6b: {  	v54 =	vld [tilespmem:s18+$0x0];
	v17 =	vmul.f32 v17, v18  }
0x6c: {  	v35 =	vld [tilespmem:s18+$0x10]  }
0x6d: {  	v55 =	vld [tilespmem:s18+$0x20];
	v17 =	vmul.f32 v19, v17  }
0x6e: {  	v53 =	vld.idx.msk [tilespmem:v11+s10+$0x0], $0xffff  }
0x6f: {  	[tilespmem:v12+s13+$0x0] =	vst.idx.add.f32.msk $0xffff, v17  }
0x70: {  	[tilespmem:v10+s14+$0x0] =	vst.idx.add.f32.msk $0xffff, v17  }
0x71: {  	v10 =	vld.idx.msk [tilespmem:v20+s10+$0x0], $0xffff  }
0x72: {  	v25 =	vld.idx.msk [tilespmem:v13+s10+$0x0], $0xffff  }
0x73: {  	v31 =	vld.idx.msk [tilespmem:v21+s10+$0x0], $0xffff  }
0x74: {  	v26 =	vld.idx.msk [tilespmem:v14+s10+$0x0], $0xffff  }
0x75: {  	v27 =	vld.idx.msk [tilespmem:v15+s10+$0x0], $0xffff  }
0x76: {  	v28 =	vld.idx.msk [tilespmem:v16+s10+$0x0], $0xffff;
	v10 =	vmul.f32 v10, v29  }
0x77: {  	v30 =	vld.idx.msk [tilespmem:v9+s10+$0x0], $0xffff  }
0x78: {  	v56 =	vld.idx.msk [tilespmem:v22+s10+$0x0], $0xffff;
	v10 =	vmul.f32 v31, v10  }
0x79: {  	v57 =	vld.idx.msk [tilespmem:v50+s10+$0x0], $0xffff  }
0x7a: {  	[tilespmem:v21+s13+$0x0] =	vst.idx.add.f32.msk $0xffff, v10  }
0x7b: {  	[tilespmem:v20+s14+$0x0] =	vst.idx.add.f32.msk $0xffff, v10  }
0x7c: {  	v26 =	vmul.f32 v26, v34;
	v10 =	vld.idx.msk [tilespmem:v23+s10+$0x0], $0xffff  }
0x7d: {  	v58 =	vld.idx.msk [tilespmem:v24+s10+$0x0], $0xffff;
	v17 =	vmul.f32 v53, v32  }
0x7e: {  	v59 =	vld.idx.msk [tilespmem:v51+s10+$0x0], $0xffff;
	v61 =	vmul.f32 v57, v26  }
0x7f: {  	v60 =	vld.idx.msk [tilespmem:v52+s10+$0x0], $0xffff;
	v25 =	vmul.f32 v25, v33;
	v17 =	vmul.f32 v56, v17  }
0x80: {  	[tilespmem:v50+s13+$0x0] =	vst.idx.add.f32.msk $0xffff, v61  }
0x81: {  	[tilespmem:v22+s13+$0x0] =	vst.idx.add.f32.msk $0xffff, v17;
	v10 =	vmul.f32 v10, v25  }
0x82: {  	[tilespmem:v11+s14+$0x0] =	vst.idx.add.f32.msk $0xffff, v17;
	v11 =	vmul.f32 v27, v54  }
0x83: {  	[tilespmem:v23+s13+$0x0] =	vst.idx.add.f32.msk $0xffff, v10  }
0x84: {  	v11 =	vmul.f32 v58, v11;
	[tilespmem:v13+s14+$0x0] =	vst.idx.add.f32.msk $0xffff, v10;
	v10 =	vmul.f32 v28, v35  }
0x85: {  	v62 =	vmul.f32 v30, v55;
	[tilespmem:v14+s14+$0x0] =	vst.idx.add.f32.msk $0xffff, v61  }
0x86: {  	[tilespmem:v24+s13+$0x0] =	vst.idx.add.f32.msk $0xffff, v11;
	v63 =	vmul.f32 v59, v10  }
0x87: {  	[tilespmem:v15+s14+$0x0] =	vst.idx.add.f32.msk $0xffff, v11;
	v10 =	vmul.f32 v60, v62  }
0x88: {  	[tilespmem:v51+s13+$0x0] =	vst.idx.add.f32.msk $0xffff, v63  }
0x89: {  	[tilespmem:v52+s13+$0x0] =	vst.idx.add.f32.msk $0xffff, v10  }
0x8a: {  	s20 =	simm.s32 $0x100;
	s19 =	simm.s32 $0x0;
	[tilespmem:v16+s14+$0x0] =	vst.idx.add.f32.msk $0xffff, v63  }
.LBB2_6:
0x8b: {  	v11 =	vld.idx.msk [tilespmem:v8+s20+$0x0 ss:$0x1], $0xffff  }
0x8c: {  	s19 =	sadd.s32 $0x80, s19;
	v12 =	vld.idx.msk [tilespmem:v2+s20+$0xFFFFFF80 ss:$0x1], $0xffff  }
0x8d: {  	p0 =	slt.u32 s19, $0x2680;
	v13 =	vld.idx.msk [tilespmem:v8+s20+$0x80 ss:$0x1], $0xffff  }
0x8e: {  	v14 =	vld.idx.msk [tilespmem:v3+s20+$0x0 ss:$0x1], $0xffff  }
0x8f: {  	v15 =	vld.idx.msk [tilespmem:v4+s20+$0x0 ss:$0x1], $0xffff  }
0x90: {  	v16 =	vld.idx.msk [tilespmem:v5+s20+$0x0 ss:$0x1], $0xffff  }
0x91: {  	v17 =	vld.idx.msk [tilespmem:v6+s20+$0x0 ss:$0x1], $0xffff  }
0x92: {  	v18 =	vld.idx.msk [tilespmem:v7+s20+$0x0 ss:$0x1], $0xffff  }
0x93: {  	s18 =	sadd.s32 $0x80, s18;
	v19 =	vld.idx.msk [tilespmem:v11+s10+$0x0], $0xffff  }
0x94: {  	v20 =	vld [tilespmem:s18+$0x30]  }
0x95: {  	v21 =	vld.idx.msk [tilespmem:v13+s10+$0x0], $0xffff  }
0x96: {  	v22 =	vld.idx.msk [tilespmem:v1+s20+$0x0 ss:$0x1], $0xffff  }
0x97: {  	v23 =	vld.idx.msk [tilespmem:v1+s20+$0x80 ss:$0x1], $0xffff  }
0x98: {  	v24 =	vld.idx.msk [tilespmem:v2+s20+$0x0 ss:$0x1], $0xffff  }
0x99: {  	v25 =	vld.idx.msk [tilespmem:v3+s20+$0x80 ss:$0x1], $0xffff;
	v19 =	vmul.f32 v19, v20  }
0x9a: {  	v20 =	vld.idx.msk [tilespmem:v4+s20+$0x80 ss:$0x1], $0xffff  }
0x9b: {  	v26 =	vld.idx.msk [tilespmem:v5+s20+$0x80 ss:$0x1], $0xffff;
	v19 =	vmul.f32 v21, v19  }
0x9c: {  	v21 =	vld.idx.msk [tilespmem:v6+s20+$0x80 ss:$0x1], $0xffff  }
0x9d: {  	[tilespmem:v13+s13+$0x0] =	vst.idx.add.f32.msk $0xffff, v19  }
0x9e: {  	[tilespmem:v11+s14+$0x0] =	vst.idx.add.f32.msk $0xffff, v19  }
0x9f: {  	v11 =	vld.idx.msk [tilespmem:v7+s20+$0x80 ss:$0x1], $0xffff  }
0xa0: {  	v13 =	vld.idx.msk [tilespmem:v22+s10+$0x0], $0xffff  }
0xa1: {  	v19 =	vld.idx.msk [tilespmem:v12+s10+$0x0], $0xffff  }
0xa2: {  	v27 =	vld.idx.msk [tilespmem:v14+s10+$0x0], $0xffff  }
0xa3: {  	v28 =	vld.idx.msk [tilespmem:v15+s10+$0x0], $0xffff  }
0xa4: {  	v29 =	vld.idx.msk [tilespmem:v16+s10+$0x0], $0xffff  }
0xa5: {  	v30 =	vld.idx.msk [tilespmem:v17+s10+$0x0], $0xffff  }
0xa6: {  	v31 =	vld.idx.msk [tilespmem:v18+s10+$0x0], $0xffff  }
0xa7: {  	v32 =	vld [tilespmem:s18+$0xFFFFFFC0]  }
0xa8: {  	v33 =	vld [tilespmem:s18+$0xFFFFFFD0]  }
0xa9: {  	v34 =	vld [tilespmem:s18+$0xFFFFFFE0]  }
0xaa: {  	v35 =	vld [tilespmem:s18+$0xFFFFFFF0]  }
0xab: {  	v36 =	vld [tilespmem:s18+$0x0]  }
0xac: {  	v13 =	vmul.f32 v13, v32;
	v32 =	vld [tilespmem:s18+$0x10]  }
0xad: {  	v19 =	vmul.f32 v19, v33;
	v33 =	vld [tilespmem:s18+$0x20]  }
0xae: {  	v37 =	vld.idx.msk [tilespmem:v23+s10+$0x0], $0xffff;
	v27 =	vmul.f32 v27, v34  }
0xaf: {  	v34 =	vld.idx.msk [tilespmem:v24+s10+$0x0], $0xffff;
	v28 =	vmul.f32 v28, v35  }
0xb0: {  	v35 =	vld.idx.msk [tilespmem:v25+s10+$0x0], $0xffff;
	v29 =	vmul.f32 v29, v36  }
0xb1: {  	v36 =	vld.idx.msk [tilespmem:v20+s10+$0x0], $0xffff;
	v30 =	vmul.f32 v30, v32  }
0xb2: {  	v32 =	vld.idx.msk [tilespmem:v26+s10+$0x0], $0xffff;
	v31 =	vmul.f32 v31, v33  }
0xb3: {  	v33 =	vld.idx.msk [tilespmem:v21+s10+$0x0], $0xffff  }
0xb4: {  	v13 =	vmul.f32 v37, v13;
	v37 =	vld.idx.msk [tilespmem:v11+s10+$0x0], $0xffff  }
0xb5: {  	v19 =	vmul.f32 v34, v19;
	[tilespmem:v9+s14+$0x0] =	vst.idx.add.f32.msk $0xffff, v10;
	v9 =	vmov v18  }
0xb6: {  	v18 =	vmul.f32 v35, v27;
	[tilespmem:v23+s13+$0x0] =	vst.idx.add.f32.msk $0xffff, v13  }
0xb7: {  	[tilespmem:v22+s14+$0x0] =	vst.idx.add.f32.msk $0xffff, v13;
	v13 =	vmul.f32 v36, v28  }
0xb8: {  	v22 =	vmul.f32 v32, v29;
	[tilespmem:v24+s13+$0x0] =	vst.idx.add.f32.msk $0xffff, v19  }
0xb9: {  	[tilespmem:v12+s14+$0x0] =	vst.idx.add.f32.msk $0xffff, v19;
	v12 =	vmul.f32 v33, v30  }
0xba: {  	v10 =	vmul.f32 v37, v31;
	[tilespmem:v25+s13+$0x0] =	vst.idx.add.f32.msk $0xffff, v18  }
0xbb: {  	[tilespmem:v14+s14+$0x0] =	vst.idx.add.f32.msk $0xffff, v18  }
0xbc: {  	[tilespmem:v20+s13+$0x0] =	vst.idx.add.f32.msk $0xffff, v13  }
0xbd: {  	[tilespmem:v15+s14+$0x0] =	vst.idx.add.f32.msk $0xffff, v13  }
.Ltmp2:
0xbe: {  	[tilespmem:v26+s13+$0x0] =	vst.idx.add.f32.msk $0xffff, v22;
	(pc) =	sbr.rel @p0 .LBB2_6-.Ltmp2, $4  }
0xbf: {  	[tilespmem:v16+s14+$0x0] =	vst.idx.add.f32.msk $0xffff, v22  }
0xc0: {  	[tilespmem:v21+s13+$0x0] =	vst.idx.add.f32.msk $0xffff, v12  }
0xc1: {  	[tilespmem:v17+s14+$0x0] =	vst.idx.add.f32.msk $0xffff, v12  }
0xc2: {  	s20 =	sadd.s32 $0x100, s20;
	[tilespmem:v11+s13+$0x0] =	vst.idx.add.f32.msk $0xffff, v10  }
0xc3: {  	_ =	sdelay $0x3  }
0xc4: {  	[tilespmem:v9+s14+$0x0] =	vst.idx.add.f32.msk $0xffff, v10  }
0xc5: {  	v9 =	vld [tilespmem:s4+$0x4E00];
	_ =	sdelay $0x1  }
0xc6: {  	v10 =	vld [tilespmem:s4+$0x4E80];
	_ =	sdelay $0x4  }
0xc7: {  	v11 =	vld [tilespmem:$0x7600]  }
0xc8: {  	v12 =	vld.idx.msk [tilespmem:v9+s10+$0x0], $0xffff;
	_ =	sdelay $0x1  }
0xc9: {  	v13 =	vld.idx.msk [tilespmem:v10+s10+$0x0], $0xffff;
	_ =	sdelay $0x2  }
0xca: {  	v11 =	vmul.f32 v12, v11;
	_ =	sdelay $0x1  }
0xcb: {  	v11 =	vmul.f32 v13, v11;
	_ =	sdelay $0x1  }
0xcc: {  	[tilespmem:v10+s13+$0x0] =	vst.idx.add.f32.msk $0xffff, v11  }
0xcd: {  	[tilespmem:v9+s14+$0x0] =	vst.idx.add.f32.msk $0xffff, v11  }
0xce: {  	[hbm4b:s7+s15] =	stream.strided.scatter [tilespmem:s13], [sflag:$0x1], $0x2780, s16, s15, $0x38;
	[tilespmem:$0xED00] =	vst v63  }
0xcf: {  	s17 =	sadd.s32 $0x1, s17;
	_ =	swait.ge [sflag:s11], $0x2780  }
0xd0: {  	p0 =	sne.s32 s17, s9;
	[sflag:s11] =	ssyncset.done $0x0  }
.Ltmp3:
0xd1: {  	[sflag:s11] =	ssyncadd.s32 $0xFFFFD880;
	(pc) =	sbr.rel @p0 .LBB2_1-.Ltmp3, $4  }
0xd2: {  	[hbm4b:s8+s15] =	stream.strided.scatter [tilespmem:s14], [sflag:$0x1], $0x2780, s16, s15, $0x38;
	[tilespmem:$0xED00] =	vst v63  }
0xd3: {  	_ =	swait.ge [sflag:s11], $0x2780  }
0xd4: {  	[sflag:s11] =	ssyncset.done $0x0  }
0xd5: {  	[sflag:s11] =	ssyncadd.s32 $0xFFFFD880  }
0xd6: {  	_ =	sfence.sel $0x180000  }
0xd7: {  	[bflag:$0x0] =	sbarrier.arrive $0xFFFF  }
0xd8: {  	p0 =	sne.s32 s1, $0x0;
	_ =	strace $0x9000004A  }
0xd9: {  	s0 =	sadd.s32 @!p0 $0x100000, s0;
	[bflag:$0x2] =	sbarrier.arrive $0xFFFF  }
0xda: {  	[sflag:s0] =	ssyncadd.tile.s32 @!p0 $0x1;
	_ =	shalt  }
.Lfunc_end2:
_tile_overlayer_lowered:
.L_overlay_start_2:
0xdb: {  	(tag) =	ssettag $0x2  }
0xdc: {  	s0 =	rddreg [dreg:$0x0];
	s2 =	stileid.u32  }
0xdd: {  	s1 =	rddreg [dreg:$0x1];
	p0 =	sne.s32 s2, $0x0  }
0xde: {  	s3 =	rddreg [dreg:$0x2];
	[bflag:$0x3] =	sbarrier.arrive $0xFFFF;
	s2 =	simm.s32 @!p0 $0x1C01  }
0xdf: {  	[timem:s3], [sflag:s2] =	dma.local @!p0 [hbm:s0], s1  }
0xe0: {  	s0 =	simm.s32 @!p0 $0x1  }
0xe1: {  	_ =	swait.ge @!p0 [sflag:s0], s1  }
0xe2: {  	s1 =	ssub.s32 @!p0 $0x0, s1;
	[sflag:s0] =	ssyncset.done @!p0 $0x0  }
0xe3: {  	[sflag:s0] =	ssyncadd.s32 @!p0 s1  }
0xe4: {  	[bflag:$0x3] =	sbarrier.arrive $0xFFFF  }
0xe5: {  	_ =	shalt  }

</sc_bundles>
